<compile_context>
chip_gen: v7x
topology: tpu7x:2x2x1
jax: 0.10.2.dev20260603
libtpu: 0.0.44.dev20260713+nightly
codegen_flags: <defaults>
</compile_context>

<pallas_src>
import functools

import jax
import jax.numpy as jnp
from jax import lax
from jax.experimental import pallas as pl
from jax.experimental.pallas import tpu as pltpu
from jax.experimental.pallas import tpu_sc as plsc

_PI = 3.141592653589793
_HIDDEN = 64
_GAMMA = 12.0
_EPSILON = 2.0
_EMB_RANGE = (_GAMMA + _EPSILON) / _HIDDEN
_PHASE_SCALE = _PI / _EMB_RANGE

_B = 16384
_POS = 1024
_NC = 2
_NS = 16
_NW = _NC * _NS
_BPW = _B // _NW
_CHUNK = 128
_NCHUNK = _BPW // _CHUNK

_TWO_OVER_PI = 0.6366197723675814
_PIO2_HI = 1.5707963705062866
_PIO2_LO = -4.371139000186241e-08
_S1, _S2, _S3 = -1.0 / 6.0, 1.0 / 120.0, -1.0 / 5040.0
_C1, _C2, _C3, _C4 = -0.5, 1.0 / 24.0, -1.0 / 720.0, 1.0 / 40320.0


def _gather_ht_body(idx3, ent, out_h, out_t, hidx_v, tidx_v, rows_v, sem):
    wid = lax.axis_index("s") * _NC + lax.axis_index("c")
    base = wid * _BPW

    for j in range(_NCHUNK):
        sl = pl.ds(base + j * _CHUNK, _CHUNK)
        pltpu.sync_copy(idx3.at[0, 0, sl], hidx_v.at[j])
        pltpu.sync_copy(idx3.at[1, 0, sl], tidx_v.at[j])

    def gather_table(idx_v, table, dst):
        copies = [
            pltpu.async_copy(table.at[idx_v.at[j]],
                             dst.at[pl.ds(j * _CHUNK, _CHUNK)], sem)
            for j in range(_NCHUNK)
        ]
        for c in copies:
            c.wait()

    gather_table(hidx_v, ent, rows_v)
    pltpu.sync_copy(rows_v, out_h.at[pl.ds(base, _BPW)])
    gather_table(tidx_v, ent, rows_v)
    pltpu.sync_copy(rows_v, out_t.at[pl.ds(base, _BPW)])


def _gather_r_body(idx3, rel2, out_rp, ridx_v, rows_v, sem, wsem):
    wid = lax.axis_index("s") * _NC + lax.axis_index("c")
    base = wid * _BPW

    for j in range(_NCHUNK):
        sl = pl.ds(base + j * _CHUNK, _CHUNK)
        pltpu.sync_copy(idx3.at[2, 0, sl], ridx_v.at[j])
    copies = [
        pltpu.async_copy(rel2.at[ridx_v.at[j]],
                         rows_v.at[pl.ds(j * _CHUNK, _CHUNK)], sem)
        for j in range(_NCHUNK)
    ]
    writes = []
    for j in range(_NCHUNK):
        copies[j].wait()
        writes.append(pltpu.async_copy(
            rows_v.at[pl.ds(j * _CHUNK, _CHUNK)],
            out_rp.at[pl.ds(base + j * _CHUNK, _CHUNK)], wsem))
    for w in writes:
        w.wait()


@functools.lru_cache(maxsize=1)
def _make_gathers():
  mesh = plsc.VectorSubcoreMesh(core_axis_name="c", subcore_axis_name="s")
  ht = functools.partial(
    pl.kernel,
    mesh=mesh,
    out_type=(
        jax.ShapeDtypeStruct((_B, 2 * _HIDDEN), jnp.float32),
        jax.ShapeDtypeStruct((_B, 2 * _HIDDEN), jnp.float32),
    ),
    scratch_types=[
        pltpu.VMEM((_NCHUNK, _CHUNK), jnp.int32),
        pltpu.VMEM((_NCHUNK, _CHUNK), jnp.int32),
        pltpu.VMEM((_BPW, 2 * _HIDDEN), jnp.float32),
        pltpu.SemaphoreType.DMA,
    ],
  )(_gather_ht_body)
  r = functools.partial(
    pl.kernel,
    mesh=mesh,
    out_type=jax.ShapeDtypeStruct((_B, 2 * _HIDDEN), jnp.float32),
    scratch_types=[
        pltpu.VMEM((_NCHUNK, _CHUNK), jnp.int32),
        pltpu.VMEM((_BPW, 2 * _HIDDEN), jnp.float32),
        pltpu.SemaphoreType.DMA,
        pltpu.SemaphoreType.DMA,
    ],
  )(_gather_r_body)
  return ht, r


_MAGIC = 12582912.0


def _sincos(ph):
    t = ph * _TWO_OVER_PI + _MAGIC
    k = jax.lax.bitcast_convert_type(t, jnp.int32)
    kf = t - _MAGIC
    r = ph - kf * _PIO2_HI - kf * _PIO2_LO
    z = r * r
    s_r = r * (1.0 + z * (_S1 + z * (_S2 + z * _S3)))
    c_r = 1.0 + z * (_C1 + z * (_C2 + z * (_C3 + z * _C4)))
    swap = (k & 1) == 1
    sign_s = jnp.where((k & 2) == 2, -1.0, 1.0)
    sign_c = jnp.where(((k + 1) & 2) == 2, -1.0, 1.0)
    s = sign_s * jnp.where(swap, c_r, s_r)
    c = sign_c * jnp.where(swap, s_r, c_r)
    return s, c


_SCORE_BLK = 1024


def _score_body(h_ref, t_ref, rp_ref, roff_ref, p_ref, n_ref):
    i = pl.program_id(0)
    h = h_ref[...]
    t = t_ref[...]
    rp = rp_ref[...]
    par = roff_ref[...].reshape(_SCORE_BLK, 1) != 0
    lane_hi = lax.broadcasted_iota(
        jnp.int32, (_SCORE_BLK, 2 * _HIDDEN), 1) >= _HIDDEN
    rr = jnp.where(jnp.logical_xor(par, lane_hi),
                   pltpu.roll(rp, _HIDDEN, 1), rp)
    s, c = _sincos(rr * _PHASE_SCALE)
    s_signed = jnp.where(lane_hi, s, -s)
    h_rot = pltpu.roll(h, _HIDDEN, 1)
    a = h * c + h_rot * s_signed - t
    a2 = a * a
    v = jnp.sqrt(a2 + pltpu.roll(a2, _HIDDEN, 1))
    res = _GAMMA - 0.5 * jnp.sum(v, axis=1, keepdims=True)

    @pl.when(i == 0)
    def _():
        p_ref[...] = res

    @pl.when(i > 0)
    def _():
        n_ref[...] = res


def _score(h_rows, t_rows, rp_rows, roff):
    nblk = _B // _SCORE_BLK
    return pl.pallas_call(
        _score_body,
        grid=(nblk,),
        in_specs=[
            pl.BlockSpec((_SCORE_BLK, 2 * _HIDDEN), lambda i: (i, 0)),
            pl.BlockSpec((_SCORE_BLK, 2 * _HIDDEN), lambda i: (i, 0)),
            pl.BlockSpec((_SCORE_BLK, 2 * _HIDDEN), lambda i: (i, 0)),
            pl.BlockSpec((1, 1, _SCORE_BLK), lambda i: (0, 0, i)),
        ],
        out_specs=[
            pl.BlockSpec((_POS, 1), lambda i: (0, 0)),
            pl.BlockSpec((_SCORE_BLK, 1),
                         lambda i: (jnp.maximum(i - 1, 0), 0)),
        ],
        out_shape=[
            jax.ShapeDtypeStruct((_POS, 1), jnp.float32),
            jax.ShapeDtypeStruct((_B - _POS, 1), jnp.float32),
        ],
    )(h_rows, t_rows, rp_rows, roff)


def kernel(input, ent_emb, rel_emb):
    rel2 = rel_emb.reshape(rel_emb.shape[0] // 2, 2 * _HIDDEN)
    h_col = input[:, 0]
    r_col = input[:, 1]
    t_col = input[:, 2]
    idx3 = jnp.stack([h_col, t_col, r_col >> 1]).reshape(3, 1, _B)
    roff = ((r_col & 1) << 6).reshape(1, 1, _B)
    gather_ht, gather_r = _make_gathers()
    h_rows, t_rows = gather_ht(idx3, ent_emb)
    rp_rows = gather_r(idx3, rel2)
    p_score, n_score = _score(h_rows, t_rows, rp_rows, roff)
    return p_score, n_score

# --- scband reference (transcript-rebuilt; emitter-appended) ---
"""Pipeline reference for scband-rotat-e-5153960755257 (READ-ONLY COPY).

The authoritative reference and input builder live on the scoring server;
editing this copy changes nothing except your own understanding.
"""

import jax, jax.numpy as jnp
import numpy as np

pi = 3.141592653589793
ENT_TOTAL = 1000000
REL_TOTAL = 100000
HIDDEN = 64
GAMMA = 12.0
EPSILON = 2.0
BATCH_SIZE = 1024
BATCH_SEQ_SIZE = 16384
EMB_RANGE = (GAMMA + EPSILON) / HIDDEN


def setup_inputs(seed: int = 0) -> dict:
    key = jax.random.key(seed)
    k1, k2, k3, k4, k5 = jax.random.split(key, 5)
    h_idx = jax.random.randint(k1, (BATCH_SEQ_SIZE, 1), 0, ENT_TOTAL, dtype=jnp.int32)
    r_idx = jax.random.randint(k2, (BATCH_SEQ_SIZE, 1), 0, REL_TOTAL, dtype=jnp.int32)
    t_idx = jax.random.randint(k3, (BATCH_SEQ_SIZE, 1), 0, ENT_TOTAL, dtype=jnp.int32)
    inp = jnp.concatenate([h_idx, r_idx, t_idx], axis=1)
    ent_emb = jax.random.normal(k4, (ENT_TOTAL, HIDDEN * 2), dtype=jnp.float32) * EMB_RANGE
    rel_emb = jax.random.normal(k5, (REL_TOTAL, HIDDEN), dtype=jnp.float32) * EMB_RANGE
    return {"input": inp, "ent_emb": ent_emb, "rel_emb": rel_emb}


def reference(input, ent_emb, rel_emb):
    batch_h = input[:, 0:1]
    batch_r = input[:, 1:2]
    batch_t = input[:, 2:3]
    h = jnp.take(ent_emb, batch_h, axis=0)  # [B, 1, 2*HIDDEN]
    t = jnp.take(ent_emb, batch_t, axis=0)  # [B, 1, 2*HIDDEN]
    r = jnp.take(rel_emb, batch_r, axis=0)  # [B, 1, HIDDEN]
    re_head, im_head = jnp.split(h, 2, axis=2)
    re_tail, im_tail = jnp.split(t, 2, axis=2)
    phase_relation = r / (EMB_RANGE / pi)
    re_relation = jnp.cos(phase_relation)
    im_relation = jnp.sin(phase_relation)
    # mode == 'tail-batch'
    re_score = re_head * re_relation - im_head * im_relation - re_tail
    im_score = re_head * im_relation + im_head * re_relation - im_tail
    pos_re = re_score[0:BATCH_SIZE]
    neg_re = re_score[BATCH_SIZE:BATCH_SEQ_SIZE]
    pos_im = im_score[0:BATCH_SIZE]
    neg_im = im_score[BATCH_SIZE:BATCH_SEQ_SIZE]
    p = jnp.sqrt(pos_re * pos_re + pos_im * pos_im)
    p_score = GAMMA - p.sum(axis=2)
    n = jnp.sqrt(neg_re * neg_re + neg_im * neg_im)
    n_score = GAMMA - n.sum(axis=2)
    return (p_score, n_score)

if __name__ == "__main__":
    import jax
    _d = setup_inputs()
    print(jax.jit(kernel)(*tuple(_d.values())))

</pallas_src>

<mosaic_0001>
#map = affine_map<(d0, d1) -> (0, 0, 0)>
#map1 = affine_map<(d0, d1) -> (0, 0)>
module attributes {stable_mosaic.version = 14 : i64} {
  func.func @_gather_ht_body(%arg0: i32, %arg1: i32, %arg2: memref<3x1x16384xi32, #tpu.memory_space<hbm>>, %arg3: memref<1000000x128xf32, #tpu.memory_space<hbm>>, %arg4: memref<16384x128xf32, #tpu.memory_space<hbm>>, %arg5: memref<16384x128xf32, #tpu.memory_space<hbm>>, %arg6: memref<4x128xi32, #tpu.memory_space<vmem>>, %arg7: memref<4x128xi32, #tpu.memory_space<vmem>>, %arg8: memref<512x128xf32, #tpu.memory_space<vmem>>, %arg9: memref<!tpu.dma_semaphore, #tpu.memory_space<semaphore_mem>>) attributes {dimension_semantics = [#tpu.dimension_semantics<core_parallel>, #tpu.dimension_semantics<subcore_parallel>], iteration_bounds = array<i64: 2, 16>, scalar_prefetch = 0 : i64, scratch_operands = 4 : i64, tpu.core_type = #tpu.core_type<sc_vector_subcore>, window_params = [{transform_indices = #map}, {transform_indices = #map1}, {transform_indices = #map1}, {transform_indices = #map1}]} {
    %mul3A = arith.constant 2 : i32
    %mul3A_0 = arith.muli %arg1, %mul3A : i32
    %add3A = arith.addi %mul3A_0, %arg0 : i32
    %mul3A_1 = arith.constant 512 : i32
    %mul3A_2 = arith.muli %add3A, %mul3A_1 : i32
    %add3A_3 = arith.constant 0 : i32
    %add3A_4 = arith.addi %mul3A_2, %add3A_3 : i32
    %run_scoped3A = arith.constant 0 : i32
    %run_scoped3A_5 = arith.constant 0 : i32
    %run_scoped3A_6 = arith.constant 0 : i32
    "tpu.region"() ({
      %run_scoped3A_192 = tpu.sem_alloc : memref<!tpu.dma_semaphore, #tpu.memory_space<semaphore_mem>>
      %dma_start3A_193 = arith.constant 0 : i32
      %dma_start3A_194 = tpu.memref_slice %arg6[%run_scoped3A_6, %dma_start3A_193] : memref<4x128xi32, #tpu.memory_space<vmem>> -> memref<1x128xi32, #tpu.memory_space<vmem>>
      %dma_start3A_195 = tpu.memref_squeeze %dma_start3A_194 : memref<1x128xi32, #tpu.memory_space<vmem>> -> memref<128xi32, #tpu.memory_space<vmem>>
      %dma_start3A_196 = tpu.memref_slice %arg2[%run_scoped3A, %run_scoped3A_5, %add3A_4] : memref<3x1x16384xi32, #tpu.memory_space<hbm>> -> memref<1x1x128xi32, #tpu.memory_space<hbm>>
      %dma_start3A_197 = tpu.memref_squeeze %dma_start3A_196 : memref<1x1x128xi32, #tpu.memory_space<hbm>> -> memref<128xi32, #tpu.memory_space<hbm>>
      %dma_start3A_198 = arith.constant 0 : i32
      %dma_start3A_199 = tpu.memref_slice %arg6[%run_scoped3A_6, %dma_start3A_198] : memref<4x128xi32, #tpu.memory_space<vmem>> -> memref<1x128xi32, #tpu.memory_space<vmem>>
      %dma_start3A_200 = tpu.memref_squeeze %dma_start3A_199 : memref<1x128xi32, #tpu.memory_space<vmem>> -> memref<128xi32, #tpu.memory_space<vmem>>
      %dma_start3A_201 = tpu.memref_slice %arg2[%run_scoped3A, %run_scoped3A_5, %add3A_4] : memref<3x1x16384xi32, #tpu.memory_space<hbm>> -> memref<1x1x128xi32, #tpu.memory_space<hbm>>
      %dma_start3A_202 = tpu.memref_squeeze %dma_start3A_201 : memref<1x1x128xi32, #tpu.memory_space<hbm>> -> memref<128xi32, #tpu.memory_space<hbm>>
      tpu.enqueue_dma source(%dma_start3A_202 : memref<128xi32, #tpu.memory_space<hbm>>) target(%dma_start3A_200 : memref<128xi32, #tpu.memory_space<vmem>>) target_semaphore(%run_scoped3A_192 : memref<!tpu.dma_semaphore, #tpu.memory_space<semaphore_mem>>)
      %dma_wait3A_203 = arith.constant 0 : i32
      %dma_wait3A_204 = tpu.memref_slice %arg6[%run_scoped3A_6, %dma_wait3A_203] : memref<4x128xi32, #tpu.memory_space<vmem>> -> memref<1x128xi32, #tpu.memory_space<vmem>>
      %dma_wait3A_205 = tpu.memref_squeeze %dma_wait3A_204 : memref<1x128xi32, #tpu.memory_space<vmem>> -> memref<128xi32, #tpu.memory_space<vmem>>
      %dma_wait3A_206 = tpu.memref_slice %arg2[%run_scoped3A, %run_scoped3A_5, %add3A_4] : memref<3x1x16384xi32, #tpu.memory_space<hbm>> -> memref<1x1x128xi32, #tpu.memory_space<hbm>>
      %dma_wait3A_207 = tpu.memref_squeeze %dma_wait3A_206 : memref<1x1x128xi32, #tpu.memory_space<hbm>> -> memref<128xi32, #tpu.memory_space<hbm>>
      %dma_wait3A_208 = arith.constant 0 : i32
      %dma_wait3A_209 = tpu.memref_slice %arg6[%run_scoped3A_6, %dma_wait3A_208] : memref<4x128xi32, #tpu.memory_space<vmem>> -> memref<1x128xi32, #tpu.memory_space<vmem>>
      %dma_wait3A_210 = tpu.memref_squeeze %dma_wait3A_209 : memref<1x128xi32, #tpu.memory_space<vmem>> -> memref<128xi32, #tpu.memory_space<vmem>>
      %dma_wait3A_211 = tpu.memref_slice %arg2[%run_scoped3A, %run_scoped3A_5, %add3A_4] : memref<3x1x16384xi32, #tpu.memory_space<hbm>> -> memref<1x1x128xi32, #tpu.memory_space<hbm>>
      %dma_wait3A_212 = tpu.memref_squeeze %dma_wait3A_211 : memref<1x1x128xi32, #tpu.memory_space<hbm>> -> memref<128xi32, #tpu.memory_space<hbm>>
      tpu.wait_dma2 semaphore(%run_scoped3A_192 : memref<!tpu.dma_semaphore, #tpu.memory_space<semaphore_mem>>) src(%dma_wait3A_212 : memref<128xi32, #tpu.memory_space<hbm>>) dst(%dma_wait3A_210 : memref<128xi32, #tpu.memory_space<vmem>>)
      tpu.yield
    }) : () -> ()
    %run_scoped3A_7 = arith.constant 1 : i32
    %run_scoped3A_8 = arith.constant 0 : i32
    %run_scoped3A_9 = arith.constant 0 : i32
    "tpu.region"() ({
      %run_scoped3A_192 = tpu.sem_alloc : memref<!tpu.dma_semaphore, #tpu.memory_space<semaphore_mem>>
      %dma_start3A_193 = arith.constant 0 : i32
      %dma_start3A_194 = tpu.memref_slice %arg7[%run_scoped3A_9, %dma_start3A_193] : memref<4x128xi32, #tpu.memory_space<vmem>> -> memref<1x128xi32, #tpu.memory_space<vmem>>
      %dma_start3A_195 = tpu.memref_squeeze %dma_start3A_194 : memref<1x128xi32, #tpu.memory_space<vmem>> -> memref<128xi32, #tpu.memory_space<vmem>>
      %dma_start3A_196 = tpu.memref_slice %arg2[%run_scoped3A_7, %run_scoped3A_8, %add3A_4] : memref<3x1x16384xi32, #tpu.memory_space<hbm>> -> memref<1x1x128xi32, #tpu.memory_space<hbm>>
      %dma_start3A_197 = tpu.memref_squeeze %dma_start3A_196 : memref<1x1x128xi32, #tpu.memory_space<hbm>> -> memref<128xi32, #tpu.memory_space<hbm>>
      %dma_start3A_198 = arith.constant 0 : i32
      %dma_start3A_199 = tpu.memref_slice %arg7[%run_scoped3A_9, %dma_start3A_198] : memref<4x128xi32, #tpu.memory_space<vmem>> -> memref<1x128xi32, #tpu.memory_space<vmem>>
      %dma_start3A_200 = tpu.memref_squeeze %dma_start3A_199 : memref<1x128xi32, #tpu.memory_space<vmem>> -> memref<128xi32, #tpu.memory_space<vmem>>
      %dma_start3A_201 = tpu.memref_slice %arg2[%run_scoped3A_7, %run_scoped3A_8, %add3A_4] : memref<3x1x16384xi32, #tpu.memory_space<hbm>> -> memref<1x1x128xi32, #tpu.memory_space<hbm>>
      %dma_start3A_202 = tpu.memref_squeeze %dma_start3A_201 : memref<1x1x128xi32, #tpu.memory_space<hbm>> -> memref<128xi32, #tpu.memory_space<hbm>>
      tpu.enqueue_dma source(%dma_start3A_202 : memref<128xi32, #tpu.memory_space<hbm>>) target(%dma_start3A_200 : memref<128xi32, #tpu.memory_space<vmem>>) target_semaphore(%run_scoped3A_192 : memref<!tpu.dma_semaphore, #tpu.memory_space<semaphore_mem>>)
      %dma_wait3A_203 = arith.constant 0 : i32
      %dma_wait3A_204 = tpu.memref_slice %arg7[%run_scoped3A_9, %dma_wait3A_203] : memref<4x128xi32, #tpu.memory_space<vmem>> -> memref<1x128xi32, #tpu.memory_space<vmem>>
      %dma_wait3A_205 = tpu.memref_squeeze %dma_wait3A_204 : memref<1x128xi32, #tpu.memory_space<vmem>> -> memref<128xi32, #tpu.memory_space<vmem>>
      %dma_wait3A_206 = tpu.memref_slice %arg2[%run_scoped3A_7, %run_scoped3A_8, %add3A_4] : memref<3x1x16384xi32, #tpu.memory_space<hbm>> -> memref<1x1x128xi32, #tpu.memory_space<hbm>>
      %dma_wait3A_207 = tpu.memref_squeeze %dma_wait3A_206 : memref<1x1x128xi32, #tpu.memory_space<hbm>> -> memref<128xi32, #tpu.memory_space<hbm>>
      %dma_wait3A_208 = arith.constant 0 : i32
      %dma_wait3A_209 = tpu.memref_slice %arg7[%run_scoped3A_9, %dma_wait3A_208] : memref<4x128xi32, #tpu.memory_space<vmem>> -> memref<1x128xi32, #tpu.memory_space<vmem>>
      %dma_wait3A_210 = tpu.memref_squeeze %dma_wait3A_209 : memref<1x128xi32, #tpu.memory_space<vmem>> -> memref<128xi32, #tpu.memory_space<vmem>>
      %dma_wait3A_211 = tpu.memref_slice %arg2[%run_scoped3A_7, %run_scoped3A_8, %add3A_4] : memref<3x1x16384xi32, #tpu.memory_space<hbm>> -> memref<1x1x128xi32, #tpu.memory_space<hbm>>
      %dma_wait3A_212 = tpu.memref_squeeze %dma_wait3A_211 : memref<1x1x128xi32, #tpu.memory_space<hbm>> -> memref<128xi32, #tpu.memory_space<hbm>>
      tpu.wait_dma2 semaphore(%run_scoped3A_192 : memref<!tpu.dma_semaphore, #tpu.memory_space<semaphore_mem>>) src(%dma_wait3A_212 : memref<128xi32, #tpu.memory_space<hbm>>) dst(%dma_wait3A_210 : memref<128xi32, #tpu.memory_space<vmem>>)
      tpu.yield
    }) : () -> ()
    %add3A_10 = arith.constant 128 : i32
    %add3A_11 = arith.addi %mul3A_2, %add3A_10 : i32
    %run_scoped3A_12 = arith.constant 0 : i32
    %run_scoped3A_13 = arith.constant 0 : i32
    %run_scoped3A_14 = arith.constant 1 : i32
    "tpu.region"() ({
      %run_scoped3A_192 = tpu.sem_alloc : memref<!tpu.dma_semaphore, #tpu.memory_space<semaphore_mem>>
      %dma_start3A_193 = arith.constant 0 : i32
      %dma_start3A_194 = tpu.memref_slice %arg6[%run_scoped3A_14, %dma_start3A_193] : memref<4x128xi32, #tpu.memory_space<vmem>> -> memref<1x128xi32, #tpu.memory_space<vmem>>
      %dma_start3A_195 = tpu.memref_squeeze %dma_start3A_194 : memref<1x128xi32, #tpu.memory_space<vmem>> -> memref<128xi32, #tpu.memory_space<vmem>>
      %dma_start3A_196 = tpu.memref_slice %arg2[%run_scoped3A_12, %run_scoped3A_13, %add3A_11] : memref<3x1x16384xi32, #tpu.memory_space<hbm>> -> memref<1x1x128xi32, #tpu.memory_space<hbm>>
      %dma_start3A_197 = tpu.memref_squeeze %dma_start3A_196 : memref<1x1x128xi32, #tpu.memory_space<hbm>> -> memref<128xi32, #tpu.memory_space<hbm>>
      %dma_start3A_198 = arith.constant 0 : i32
      %dma_start3A_199 = tpu.memref_slice %arg6[%run_scoped3A_14, %dma_start3A_198] : memref<4x128xi32, #tpu.memory_space<vmem>> -> memref<1x128xi32, #tpu.memory_space<vmem>>
      %dma_start3A_200 = tpu.memref_squeeze %dma_start3A_199 : memref<1x128xi32, #tpu.memory_space<vmem>> -> memref<128xi32, #tpu.memory_space<vmem>>
      %dma_start3A_201 = tpu.memref_slice %arg2[%run_scoped3A_12, %run_scoped3A_13, %add3A_11] : memref<3x1x16384xi32, #tpu.memory_space<hbm>> -> memref<1x1x128xi32, #tpu.memory_space<hbm>>
      %dma_start3A_202 = tpu.memref_squeeze %dma_start3A_201 : memref<1x1x128xi32, #tpu.memory_space<hbm>> -> memref<128xi32, #tpu.memory_space<hbm>>
      tpu.enqueue_dma source(%dma_start3A_202 : memref<128xi32, #tpu.memory_space<hbm>>) target(%dma_start3A_200 : memref<128xi32, #tpu.memory_space<vmem>>) target_semaphore(%run_scoped3A_192 : memref<!tpu.dma_semaphore, #tpu.memory_space<semaphore_mem>>)
      %dma_wait3A_203 = arith.constant 0 : i32
      %dma_wait3A_204 = tpu.memref_slice %arg6[%run_scoped3A_14, %dma_wait3A_203] : memref<4x128xi32, #tpu.memory_space<vmem>> -> memref<1x128xi32, #tpu.memory_space<vmem>>
      %dma_wait3A_205 = tpu.memref_squeeze %dma_wait3A_204 : memref<1x128xi32, #tpu.memory_space<vmem>> -> memref<128xi32, #tpu.memory_space<vmem>>
      %dma_wait3A_206 = tpu.memref_slice %arg2[%run_scoped3A_12, %run_scoped3A_13, %add3A_11] : memref<3x1x16384xi32, #tpu.memory_space<hbm>> -> memref<1x1x128xi32, #tpu.memory_space<hbm>>
      %dma_wait3A_207 = tpu.memref_squeeze %dma_wait3A_206 : memref<1x1x128xi32, #tpu.memory_space<hbm>> -> memref<128xi32, #tpu.memory_space<hbm>>
      %dma_wait3A_208 = arith.constant 0 : i32
      %dma_wait3A_209 = tpu.memref_slice %arg6[%run_scoped3A_14, %dma_wait3A_208] : memref<4x128xi32, #tpu.memory_space<vmem>> -> memref<1x128xi32, #tpu.memory_space<vmem>>
      %dma_wait3A_210 = tpu.memref_squeeze %dma_wait3A_209 : memref<1x128xi32, #tpu.memory_space<vmem>> -> memref<128xi32, #tpu.memory_space<vmem>>
      %dma_wait3A_211 = tpu.memref_slice %arg2[%run_scoped3A_12, %run_scoped3A_13, %add3A_11] : memref<3x1x16384xi32, #tpu.memory_space<hbm>> -> memref<1x1x128xi32, #tpu.memory_space<hbm>>
      %dma_wait3A_212 = tpu.memref_squeeze %dma_wait3A_211 : memref<1x1x128xi32, #tpu.memory_space<hbm>> -> memref<128xi32, #tpu.memory_space<hbm>>
      tpu.wait_dma2 semaphore(%run_scoped3A_192 : memref<!tpu.dma_semaphore, #tpu.memory_space<semaphore_mem>>) src(%dma_wait3A_212 : memref<128xi32, #tpu.memory_space<hbm>>) dst(%dma_wait3A_210 : memref<128xi32, #tpu.memory_space<vmem>>)
      tpu.yield
    }) : () -> ()
    %run_scoped3A_15 = arith.constant 1 : i32
    %run_scoped3A_16 = arith.constant 0 : i32
    %run_scoped3A_17 = arith.constant 1 : i32
    "tpu.region"() ({
      %run_scoped3A_192 = tpu.sem_alloc : memref<!tpu.dma_semaphore, #tpu.memory_space<semaphore_mem>>
      %dma_start3A_193 = arith.constant 0 : i32
      %dma_start3A_194 = tpu.memref_slice %arg7[%run_scoped3A_17, %dma_start3A_193] : memref<4x128xi32, #tpu.memory_space<vmem>> -> memref<1x128xi32, #tpu.memory_space<vmem>>
      %dma_start3A_195 = tpu.memref_squeeze %dma_start3A_194 : memref<1x128xi32, #tpu.memory_space<vmem>> -> memref<128xi32, #tpu.memory_space<vmem>>
      %dma_start3A_196 = tpu.memref_slice %arg2[%run_scoped3A_15, %run_scoped3A_16, %add3A_11] : memref<3x1x16384xi32, #tpu.memory_space<hbm>> -> memref<1x1x128xi32, #tpu.memory_space<hbm>>
      %dma_start3A_197 = tpu.memref_squeeze %dma_start3A_196 : memref<1x1x128xi32, #tpu.memory_space<hbm>> -> memref<128xi32, #tpu.memory_space<hbm>>
      %dma_start3A_198 = arith.constant 0 : i32
      %dma_start3A_199 = tpu.memref_slice %arg7[%run_scoped3A_17, %dma_start3A_198] : memref<4x128xi32, #tpu.memory_space<vmem>> -> memref<1x128xi32, #tpu.memory_space<vmem>>
      %dma_start3A_200 = tpu.memref_squeeze %dma_start3A_199 : memref<1x128xi32, #tpu.memory_space<vmem>> -> memref<128xi32, #tpu.memory_space<vmem>>
      %dma_start3A_201 = tpu.memref_slice %arg2[%run_scoped3A_15, %run_scoped3A_16, %add3A_11] : memref<3x1x16384xi32, #tpu.memory_space<hbm>> -> memref<1x1x128xi32, #tpu.memory_space<hbm>>
      %dma_start3A_202 = tpu.memref_squeeze %dma_start3A_201 : memref<1x1x128xi32, #tpu.memory_space<hbm>> -> memref<128xi32, #tpu.memory_space<hbm>>
      tpu.enqueue_dma source(%dma_start3A_202 : memref<128xi32, #tpu.memory_space<hbm>>) target(%dma_start3A_200 : memref<128xi32, #tpu.memory_space<vmem>>) target_semaphore(%run_scoped3A_192 : memref<!tpu.dma_semaphore, #tpu.memory_space<semaphore_mem>>)
      %dma_wait3A_203 = arith.constant 0 : i32
      %dma_wait3A_204 = tpu.memref_slice %arg7[%run_scoped3A_17, %dma_wait3A_203] : memref<4x128xi32, #tpu.memory_space<vmem>> -> memref<1x128xi32, #tpu.memory_space<vmem>>
      %dma_wait3A_205 = tpu.memref_squeeze %dma_wait3A_204 : memref<1x128xi32, #tpu.memory_space<vmem>> -> memref<128xi32, #tpu.memory_space<vmem>>
      %dma_wait3A_206 = tpu.memref_slice %arg2[%run_scoped3A_15, %run_scoped3A_16, %add3A_11] : memref<3x1x16384xi32, #tpu.memory_space<hbm>> -> memref<1x1x128xi32, #tpu.memory_space<hbm>>
      %dma_wait3A_207 = tpu.memref_squeeze %dma_wait3A_206 : memref<1x1x128xi32, #tpu.memory_space<hbm>> -> memref<128xi32, #tpu.memory_space<hbm>>
      %dma_wait3A_208 = arith.constant 0 : i32
      %dma_wait3A_209 = tpu.memref_slice %arg7[%run_scoped3A_17, %dma_wait3A_208] : memref<4x128xi32, #tpu.memory_space<vmem>> -> memref<1x128xi32, #tpu.memory_space<vmem>>
      %dma_wait3A_210 = tpu.memref_squeeze %dma_wait3A_209 : memref<1x128xi32, #tpu.memory_space<vmem>> -> memref<128xi32, #tpu.memory_space<vmem>>
      %dma_wait3A_211 = tpu.memref_slice %arg2[%run_scoped3A_15, %run_scoped3A_16, %add3A_11] : memref<3x1x16384xi32, #tpu.memory_space<hbm>> -> memref<1x1x128xi32, #tpu.memory_space<hbm>>
      %dma_wait3A_212 = tpu.memref_squeeze %dma_wait3A_211 : memref<1x1x128xi32, #tpu.memory_space<hbm>> -> memref<128xi32, #tpu.memory_space<hbm>>
      tpu.wait_dma2 semaphore(%run_scoped3A_192 : memref<!tpu.dma_semaphore, #tpu.memory_space<semaphore_mem>>) src(%dma_wait3A_212 : memref<128xi32, #tpu.memory_space<hbm>>) dst(%dma_wait3A_210 : memref<128xi32, #tpu.memory_space<vmem>>)
      tpu.yield
    }) : () -> ()
    %add3A_18 = arith.constant 256 : i32
    %add3A_19 = arith.addi %mul3A_2, %add3A_18 : i32
    %run_scoped3A_20 = arith.constant 0 : i32
    %run_scoped3A_21 = arith.constant 0 : i32
    %run_scoped3A_22 = arith.constant 2 : i32
    "tpu.region"() ({
      %run_scoped3A_192 = tpu.sem_alloc : memref<!tpu.dma_semaphore, #tpu.memory_space<semaphore_mem>>
      %dma_start3A_193 = arith.constant 0 : i32
      %dma_start3A_194 = tpu.memref_slice %arg6[%run_scoped3A_22, %dma_start3A_193] : memref<4x128xi32, #tpu.memory_space<vmem>> -> memref<1x128xi32, #tpu.memory_space<vmem>>
      %dma_start3A_195 = tpu.memref_squeeze %dma_start3A_194 : memref<1x128xi32, #tpu.memory_space<vmem>> -> memref<128xi32, #tpu.memory_space<vmem>>
      %dma_start3A_196 = tpu.memref_slice %arg2[%run_scoped3A_20, %run_scoped3A_21, %add3A_19] : memref<3x1x16384xi32, #tpu.memory_space<hbm>> -> memref<1x1x128xi32, #tpu.memory_space<hbm>>
      %dma_start3A_197 = tpu.memref_squeeze %dma_start3A_196 : memref<1x1x128xi32, #tpu.memory_space<hbm>> -> memref<128xi32, #tpu.memory_space<hbm>>
      %dma_start3A_198 = arith.constant 0 : i32
      %dma_start3A_199 = tpu.memref_slice %arg6[%run_scoped3A_22, %dma_start3A_198] : memref<4x128xi32, #tpu.memory_space<vmem>> -> memref<1x128xi32, #tpu.memory_space<vmem>>
      %dma_start3A_200 = tpu.memref_squeeze %dma_start3A_199 : memref<1x128xi32, #tpu.memory_space<vmem>> -> memref<128xi32, #tpu.memory_space<vmem>>
      %dma_start3A_201 = tpu.memref_slice %arg2[%run_scoped3A_20, %run_scoped3A_21, %add3A_19] : memref<3x1x16384xi32, #tpu.memory_space<hbm>> -> memref<1x1x128xi32, #tpu.memory_space<hbm>>
      %dma_start3A_202 = tpu.memref_squeeze %dma_start3A_201 : memref<1x1x128xi32, #tpu.memory_space<hbm>> -> memref<128xi32, #tpu.memory_space<hbm>>
      tpu.enqueue_dma source(%dma_start3A_202 : memref<128xi32, #tpu.memory_space<hbm>>) target(%dma_start3A_200 : memref<128xi32, #tpu.memory_space<vmem>>) target_semaphore(%run_scoped3A_192 : memref<!tpu.dma_semaphore, #tpu.memory_space<semaphore_mem>>)
      %dma_wait3A_203 = arith.constant 0 : i32
      %dma_wait3A_204 = tpu.memref_slice %arg6[%run_scoped3A_22, %dma_wait3A_203] : memref<4x128xi32, #tpu.memory_space<vmem>> -> memref<1x128xi32, #tpu.memory_space<vmem>>
      %dma_wait3A_205 = tpu.memref_squeeze %dma_wait3A_204 : memref<1x128xi32, #tpu.memory_space<vmem>> -> memref<128xi32, #tpu.memory_space<vmem>>
      %dma_wait3A_206 = tpu.memref_slice %arg2[%run_scoped3A_20, %run_scoped3A_21, %add3A_19] : memref<3x1x16384xi32, #tpu.memory_space<hbm>> -> memref<1x1x128xi32, #tpu.memory_space<hbm>>
      %dma_wait3A_207 = tpu.memref_squeeze %dma_wait3A_206 : memref<1x1x128xi32, #tpu.memory_space<hbm>> -> memref<128xi32, #tpu.memory_space<hbm>>
      %dma_wait3A_208 = arith.constant 0 : i32
      %dma_wait3A_209 = tpu.memref_slice %arg6[%run_scoped3A_22, %dma_wait3A_208] : memref<4x128xi32, #tpu.memory_space<vmem>> -> memref<1x128xi32, #tpu.memory_space<vmem>>
      %dma_wait3A_210 = tpu.memref_squeeze %dma_wait3A_209 : memref<1x128xi32, #tpu.memory_space<vmem>> -> memref<128xi32, #tpu.memory_space<vmem>>
      %dma_wait3A_211 = tpu.memref_slice %arg2[%run_scoped3A_20, %run_scoped3A_21, %add3A_19] : memref<3x1x16384xi32, #tpu.memory_space<hbm>> -> memref<1x1x128xi32, #tpu.memory_space<hbm>>
      %dma_wait3A_212 = tpu.memref_squeeze %dma_wait3A_211 : memref<1x1x128xi32, #tpu.memory_space<hbm>> -> memref<128xi32, #tpu.memory_space<hbm>>
      tpu.wait_dma2 semaphore(%run_scoped3A_192 : memref<!tpu.dma_semaphore, #tpu.memory_space<semaphore_mem>>) src(%dma_wait3A_212 : memref<128xi32, #tpu.memory_space<hbm>>) dst(%dma_wait3A_210 : memref<128xi32, #tpu.memory_space<vmem>>)
      tpu.yield
    }) : () -> ()
    %run_scoped3A_23 = arith.constant 1 : i32
    %run_scoped3A_24 = arith.constant 0 : i32
    %run_scoped3A_25 = arith.constant 2 : i32
    "tpu.region"() ({
      %run_scoped3A_192 = tpu.sem_alloc : memref<!tpu.dma_semaphore, #tpu.memory_space<semaphore_mem>>
      %dma_start3A_193 = arith.constant 0 : i32
      %dma_start3A_194 = tpu.memref_slice %arg7[%run_scoped3A_25, %dma_start3A_193] : memref<4x128xi32, #tpu.memory_space<vmem>> -> memref<1x128xi32, #tpu.memory_space<vmem>>
      %dma_start3A_195 = tpu.memref_squeeze %dma_start3A_194 : memref<1x128xi32, #tpu.memory_space<vmem>> -> memref<128xi32, #tpu.memory_space<vmem>>
      %dma_start3A_196 = tpu.memref_slice %arg2[%run_scoped3A_23, %run_scoped3A_24, %add3A_19] : memref<3x1x16384xi32, #tpu.memory_space<hbm>> -> memref<1x1x128xi32, #tpu.memory_space<hbm>>
      %dma_start3A_197 = tpu.memref_squeeze %dma_start3A_196 : memref<1x1x128xi32, #tpu.memory_space<hbm>> -> memref<128xi32, #tpu.memory_space<hbm>>
      %dma_start3A_198 = arith.constant 0 : i32
      %dma_start3A_199 = tpu.memref_slice %arg7[%run_scoped3A_25, %dma_start3A_198] : memref<4x128xi32, #tpu.memory_space<vmem>> -> memref<1x128xi32, #tpu.memory_space<vmem>>
      %dma_start3A_200 = tpu.memref_squeeze %dma_start3A_199 : memref<1x128xi32, #tpu.memory_space<vmem>> -> memref<128xi32, #tpu.memory_space<vmem>>
      %dma_start3A_201 = tpu.memref_slice %arg2[%run_scoped3A_23, %run_scoped3A_24, %add3A_19] : memref<3x1x16384xi32, #tpu.memory_space<hbm>> -> memref<1x1x128xi32, #tpu.memory_space<hbm>>
      %dma_start3A_202 = tpu.memref_squeeze %dma_start3A_201 : memref<1x1x128xi32, #tpu.memory_space<hbm>> -> memref<128xi32, #tpu.memory_space<hbm>>
      tpu.enqueue_dma source(%dma_start3A_202 : memref<128xi32, #tpu.memory_space<hbm>>) target(%dma_start3A_200 : memref<128xi32, #tpu.memory_space<vmem>>) target_semaphore(%run_scoped3A_192 : memref<!tpu.dma_semaphore, #tpu.memory_space<semaphore_mem>>)
      %dma_wait3A_203 = arith.constant 0 : i32
      %dma_wait3A_204 = tpu.memref_slice %arg7[%run_scoped3A_25, %dma_wait3A_203] : memref<4x128xi32, #tpu.memory_space<vmem>> -> memref<1x128xi32, #tpu.memory_space<vmem>>
      %dma_wait3A_205 = tpu.memref_squeeze %dma_wait3A_204 : memref<1x128xi32, #tpu.memory_space<vmem>> -> memref<128xi32, #tpu.memory_space<vmem>>
      %dma_wait3A_206 = tpu.memref_slice %arg2[%run_scoped3A_23, %run_scoped3A_24, %add3A_19] : memref<3x1x16384xi32, #tpu.memory_space<hbm>> -> memref<1x1x128xi32, #tpu.memory_space<hbm>>
      %dma_wait3A_207 = tpu.memref_squeeze %dma_wait3A_206 : memref<1x1x128xi32, #tpu.memory_space<hbm>> -> memref<128xi32, #tpu.memory_space<hbm>>
      %dma_wait3A_208 = arith.constant 0 : i32
      %dma_wait3A_209 = tpu.memref_slice %arg7[%run_scoped3A_25, %dma_wait3A_208] : memref<4x128xi32, #tpu.memory_space<vmem>> -> memref<1x128xi32, #tpu.memory_space<vmem>>
      %dma_wait3A_210 = tpu.memref_squeeze %dma_wait3A_209 : memref<1x128xi32, #tpu.memory_space<vmem>> -> memref<128xi32, #tpu.memory_space<vmem>>
      %dma_wait3A_211 = tpu.memref_slice %arg2[%run_scoped3A_23, %run_scoped3A_24, %add3A_19] : memref<3x1x16384xi32, #tpu.memory_space<hbm>> -> memref<1x1x128xi32, #tpu.memory_space<hbm>>
      %dma_wait3A_212 = tpu.memref_squeeze %dma_wait3A_211 : memref<1x1x128xi32, #tpu.memory_space<hbm>> -> memref<128xi32, #tpu.memory_space<hbm>>
      tpu.wait_dma2 semaphore(%run_scoped3A_192 : memref<!tpu.dma_semaphore, #tpu.memory_space<semaphore_mem>>) src(%dma_wait3A_212 : memref<128xi32, #tpu.memory_space<hbm>>) dst(%dma_wait3A_210 : memref<128xi32, #tpu.memory_space<vmem>>)
      tpu.yield
    }) : () -> ()
    %add3A_26 = arith.constant 384 : i32
    %add3A_27 = arith.addi %mul3A_2, %add3A_26 : i32
    %run_scoped3A_28 = arith.constant 0 : i32
    %run_scoped3A_29 = arith.constant 0 : i32
    %run_scoped3A_30 = arith.constant 3 : i32
    "tpu.region"() ({
      %run_scoped3A_192 = tpu.sem_alloc : memref<!tpu.dma_semaphore, #tpu.memory_space<semaphore_mem>>
      %dma_start3A_193 = arith.constant 0 : i32
      %dma_start3A_194 = tpu.memref_slice %arg6[%run_scoped3A_30, %dma_start3A_193] : memref<4x128xi32, #tpu.memory_space<vmem>> -> memref<1x128xi32, #tpu.memory_space<vmem>>
      %dma_start3A_195 = tpu.memref_squeeze %dma_start3A_194 : memref<1x128xi32, #tpu.memory_space<vmem>> -> memref<128xi32, #tpu.memory_space<vmem>>
      %dma_start3A_196 = tpu.memref_slice %arg2[%run_scoped3A_28, %run_scoped3A_29, %add3A_27] : memref<3x1x16384xi32, #tpu.memory_space<hbm>> -> memref<1x1x128xi32, #tpu.memory_space<hbm>>
      %dma_start3A_197 = tpu.memref_squeeze %dma_start3A_196 : memref<1x1x128xi32, #tpu.memory_space<hbm>> -> memref<128xi32, #tpu.memory_space<hbm>>
      %dma_start3A_198 = arith.constant 0 : i32
      %dma_start3A_199 = tpu.memref_slice %arg6[%run_scoped3A_30, %dma_start3A_198] : memref<4x128xi32, #tpu.memory_space<vmem>> -> memref<1x128xi32, #tpu.memory_space<vmem>>
      %dma_start3A_200 = tpu.memref_squeeze %dma_start3A_199 : memref<1x128xi32, #tpu.memory_space<vmem>> -> memref<128xi32, #tpu.memory_space<vmem>>
      %dma_start3A_201 = tpu.memref_slice %arg2[%run_scoped3A_28, %run_scoped3A_29, %add3A_27] : memref<3x1x16384xi32, #tpu.memory_space<hbm>> -> memref<1x1x128xi32, #tpu.memory_space<hbm>>
      %dma_start3A_202 = tpu.memref_squeeze %dma_start3A_201 : memref<1x1x128xi32, #tpu.memory_space<hbm>> -> memref<128xi32, #tpu.memory_space<hbm>>
      tpu.enqueue_dma source(%dma_start3A_202 : memref<128xi32, #tpu.memory_space<hbm>>) target(%dma_start3A_200 : memref<128xi32, #tpu.memory_space<vmem>>) target_semaphore(%run_scoped3A_192 : memref<!tpu.dma_semaphore, #tpu.memory_space<semaphore_mem>>)
      %dma_wait3A_203 = arith.constant 0 : i32
      %dma_wait3A_204 = tpu.memref_slice %arg6[%run_scoped3A_30, %dma_wait3A_203] : memref<4x128xi32, #tpu.memory_space<vmem>> -> memref<1x128xi32, #tpu.memory_space<vmem>>
      %dma_wait3A_205 = tpu.memref_squeeze %dma_wait3A_204 : memref<1x128xi32, #tpu.memory_space<vmem>> -> memref<128xi32, #tpu.memory_space<vmem>>
      %dma_wait3A_206 = tpu.memref_slice %arg2[%run_scoped3A_28, %run_scoped3A_29, %add3A_27] : memref<3x1x16384xi32, #tpu.memory_space<hbm>> -> memref<1x1x128xi32, #tpu.memory_space<hbm>>
      %dma_wait3A_207 = tpu.memref_squeeze %dma_wait3A_206 : memref<1x1x128xi32, #tpu.memory_space<hbm>> -> memref<128xi32, #tpu.memory_space<hbm>>
      %dma_wait3A_208 = arith.constant 0 : i32
      %dma_wait3A_209 = tpu.memref_slice %arg6[%run_scoped3A_30, %dma_wait3A_208] : memref<4x128xi32, #tpu.memory_space<vmem>> -> memref<1x128xi32, #tpu.memory_space<vmem>>
      %dma_wait3A_210 = tpu.memref_squeeze %dma_wait3A_209 : memref<1x128xi32, #tpu.memory_space<vmem>> -> memref<128xi32, #tpu.memory_space<vmem>>
      %dma_wait3A_211 = tpu.memref_slice %arg2[%run_scoped3A_28, %run_scoped3A_29, %add3A_27] : memref<3x1x16384xi32, #tpu.memory_space<hbm>> -> memref<1x1x128xi32, #tpu.memory_space<hbm>>
      %dma_wait3A_212 = tpu.memref_squeeze %dma_wait3A_211 : memref<1x1x128xi32, #tpu.memory_space<hbm>> -> memref<128xi32, #tpu.memory_space<hbm>>
      tpu.wait_dma2 semaphore(%run_scoped3A_192 : memref<!tpu.dma_semaphore, #tpu.memory_space<semaphore_mem>>) src(%dma_wait3A_212 : memref<128xi32, #tpu.memory_space<hbm>>) dst(%dma_wait3A_210 : memref<128xi32, #tpu.memory_space<vmem>>)
      tpu.yield
    }) : () -> ()
    %run_scoped3A_31 = arith.constant 1 : i32
    %run_scoped3A_32 = arith.constant 0 : i32
    %run_scoped3A_33 = arith.constant 3 : i32
    "tpu.region"() ({
      %run_scoped3A_192 = tpu.sem_alloc : memref<!tpu.dma_semaphore, #tpu.memory_space<semaphore_mem>>
      %dma_start3A_193 = arith.constant 0 : i32
      %dma_start3A_194 = tpu.memref_slice %arg7[%run_scoped3A_33, %dma_start3A_193] : memref<4x128xi32, #tpu.memory_space<vmem>> -> memref<1x128xi32, #tpu.memory_space<vmem>>
      %dma_start3A_195 = tpu.memref_squeeze %dma_start3A_194 : memref<1x128xi32, #tpu.memory_space<vmem>> -> memref<128xi32, #tpu.memory_space<vmem>>
      %dma_start3A_196 = tpu.memref_slice %arg2[%run_scoped3A_31, %run_scoped3A_32, %add3A_27] : memref<3x1x16384xi32, #tpu.memory_space<hbm>> -> memref<1x1x128xi32, #tpu.memory_space<hbm>>
      %dma_start3A_197 = tpu.memref_squeeze %dma_start3A_196 : memref<1x1x128xi32, #tpu.memory_space<hbm>> -> memref<128xi32, #tpu.memory_space<hbm>>
      %dma_start3A_198 = arith.constant 0 : i32
      %dma_start3A_199 = tpu.memref_slice %arg7[%run_scoped3A_33, %dma_start3A_198] : memref<4x128xi32, #tpu.memory_space<vmem>> -> memref<1x128xi32, #tpu.memory_space<vmem>>
      %dma_start3A_200 = tpu.memref_squeeze %dma_start3A_199 : memref<1x128xi32, #tpu.memory_space<vmem>> -> memref<128xi32, #tpu.memory_space<vmem>>
      %dma_start3A_201 = tpu.memref_slice %arg2[%run_scoped3A_31, %run_scoped3A_32, %add3A_27] : memref<3x1x16384xi32, #tpu.memory_space<hbm>> -> memref<1x1x128xi32, #tpu.memory_space<hbm>>
      %dma_start3A_202 = tpu.memref_squeeze %dma_start3A_201 : memref<1x1x128xi32, #tpu.memory_space<hbm>> -> memref<128xi32, #tpu.memory_space<hbm>>
      tpu.enqueue_dma source(%dma_start3A_202 : memref<128xi32, #tpu.memory_space<hbm>>) target(%dma_start3A_200 : memref<128xi32, #tpu.memory_space<vmem>>) target_semaphore(%run_scoped3A_192 : memref<!tpu.dma_semaphore, #tpu.memory_space<semaphore_mem>>)
      %dma_wait3A_203 = arith.constant 0 : i32
      %dma_wait3A_204 = tpu.memref_slice %arg7[%run_scoped3A_33, %dma_wait3A_203] : memref<4x128xi32, #tpu.memory_space<vmem>> -> memref<1x128xi32, #tpu.memory_space<vmem>>
      %dma_wait3A_205 = tpu.memref_squeeze %dma_wait3A_204 : memref<1x128xi32, #tpu.memory_space<vmem>> -> memref<128xi32, #tpu.memory_space<vmem>>
      %dma_wait3A_206 = tpu.memref_slice %arg2[%run_scoped3A_31, %run_scoped3A_32, %add3A_27] : memref<3x1x16384xi32, #tpu.memory_space<hbm>> -> memref<1x1x128xi32, #tpu.memory_space<hbm>>
      %dma_wait3A_207 = tpu.memref_squeeze %dma_wait3A_206 : memref<1x1x128xi32, #tpu.memory_space<hbm>> -> memref<128xi32, #tpu.memory_space<hbm>>
      %dma_wait3A_208 = arith.constant 0 : i32
      %dma_wait3A_209 = tpu.memref_slice %arg7[%run_scoped3A_33, %dma_wait3A_208] : memref<4x128xi32, #tpu.memory_space<vmem>> -> memref<1x128xi32, #tpu.memory_space<vmem>>
      %dma_wait3A_210 = tpu.memref_squeeze %dma_wait3A_209 : memref<1x128xi32, #tpu.memory_space<vmem>> -> memref<128xi32, #tpu.memory_space<vmem>>
      %dma_wait3A_211 = tpu.memref_slice %arg2[%run_scoped3A_31, %run_scoped3A_32, %add3A_27] : memref<3x1x16384xi32, #tpu.memory_space<hbm>> -> memref<1x1x128xi32, #tpu.memory_space<hbm>>
      %dma_wait3A_212 = tpu.memref_squeeze %dma_wait3A_211 : memref<1x1x128xi32, #tpu.memory_space<hbm>> -> memref<128xi32, #tpu.memory_space<hbm>>
      tpu.wait_dma2 semaphore(%run_scoped3A_192 : memref<!tpu.dma_semaphore, #tpu.memory_space<semaphore_mem>>) src(%dma_wait3A_212 : memref<128xi32, #tpu.memory_space<hbm>>) dst(%dma_wait3A_210 : memref<128xi32, #tpu.memory_space<vmem>>)
      tpu.yield
    }) : () -> ()
    %dma_start3A = arith.constant 0 : i32
    %dma_start3A_34 = arith.constant 0 : i32
    %dma_start3A_35 = arith.constant 0 : i32
    %dma_start3A_36 = tpu.memref_slice %arg8[%dma_start3A_34, %dma_start3A_35] : memref<512x128xf32, #tpu.memory_space<vmem>> -> memref<128x128xf32, #tpu.memory_space<vmem>>
    %dma_start3A_37 = arith.constant 0 : i32
    %dma_start3A_38 = tpu.memref_slice %arg6[%dma_start3A, %dma_start3A_37] : memref<4x128xi32, #tpu.memory_space<vmem>> -> memref<1x128xi32, #tpu.memory_space<vmem>>
    %dma_start3A_39 = tpu.memref_squeeze %dma_start3A_38 : memref<1x128xi32, #tpu.memory_space<vmem>> -> memref<128xi32, #tpu.memory_space<vmem>>
    %dma_start3A_40 = arith.constant 0 : i32
    %dma_start3A_41 = arith.constant 0 : i32
    %dma_start3A_42 = tpu.memref_slice %arg3[%dma_start3A_40, %dma_start3A_41] : memref<1000000x128xf32, #tpu.memory_space<hbm>> -> memref<1000000x128xf32, #tpu.memory_space<hbm>>
    tpu.enqueue_indirect_dma source(%dma_start3A_42 : memref<1000000x128xf32, #tpu.memory_space<hbm>>) target(%dma_start3A_36 : memref<128x128xf32, #tpu.memory_space<vmem>>) offsets(%dma_start3A_39 : memref<128xi32, #tpu.memory_space<vmem>>) semaphore(%arg9 : memref<!tpu.dma_semaphore, #tpu.memory_space<semaphore_mem>>)
    %dma_start3A_43 = arith.constant 1 : i32
    %dma_start3A_44 = arith.constant 128 : i32
    %dma_start3A_45 = arith.constant 0 : i32
    %dma_start3A_46 = tpu.memref_slice %arg8[%dma_start3A_44, %dma_start3A_45] : memref<512x128xf32, #tpu.memory_space<vmem>> -> memref<128x128xf32, #tpu.memory_space<vmem>>
    %dma_start3A_47 = arith.constant 0 : i32
    %dma_start3A_48 = tpu.memref_slice %arg6[%dma_start3A_43, %dma_start3A_47] : memref<4x128xi32, #tpu.memory_space<vmem>> -> memref<1x128xi32, #tpu.memory_space<vmem>>
    %dma_start3A_49 = tpu.memref_squeeze %dma_start3A_48 : memref<1x128xi32, #tpu.memory_space<vmem>> -> memref<128xi32, #tpu.memory_space<vmem>>
    %dma_start3A_50 = arith.constant 0 : i32
    %dma_start3A_51 = arith.constant 0 : i32
    %dma_start3A_52 = tpu.memref_slice %arg3[%dma_start3A_50, %dma_start3A_51] : memref<1000000x128xf32, #tpu.memory_space<hbm>> -> memref<1000000x128xf32, #tpu.memory_space<hbm>>
    tpu.enqueue_indirect_dma source(%dma_start3A_52 : memref<1000000x128xf32, #tpu.memory_space<hbm>>) target(%dma_start3A_46 : memref<128x128xf32, #tpu.memory_space<vmem>>) offsets(%dma_start3A_49 : memref<128xi32, #tpu.memory_space<vmem>>) semaphore(%arg9 : memref<!tpu.dma_semaphore, #tpu.memory_space<semaphore_mem>>)
    %dma_start3A_53 = arith.constant 2 : i32
    %dma_start3A_54 = arith.constant 256 : i32
    %dma_start3A_55 = arith.constant 0 : i32
    %dma_start3A_56 = tpu.memref_slice %arg8[%dma_start3A_54, %dma_start3A_55] : memref<512x128xf32, #tpu.memory_space<vmem>> -> memref<128x128xf32, #tpu.memory_space<vmem>>
    %dma_start3A_57 = arith.constant 0 : i32
    %dma_start3A_58 = tpu.memref_slice %arg6[%dma_start3A_53, %dma_start3A_57] : memref<4x128xi32, #tpu.memory_space<vmem>> -> memref<1x128xi32, #tpu.memory_space<vmem>>
    %dma_start3A_59 = tpu.memref_squeeze %dma_start3A_58 : memref<1x128xi32, #tpu.memory_space<vmem>> -> memref<128xi32, #tpu.memory_space<vmem>>
    %dma_start3A_60 = arith.constant 0 : i32
    %dma_start3A_61 = arith.constant 0 : i32
    %dma_start3A_62 = tpu.memref_slice %arg3[%dma_start3A_60, %dma_start3A_61] : memref<1000000x128xf32, #tpu.memory_space<hbm>> -> memref<1000000x128xf32, #tpu.memory_space<hbm>>
    tpu.enqueue_indirect_dma source(%dma_start3A_62 : memref<1000000x128xf32, #tpu.memory_space<hbm>>) target(%dma_start3A_56 : memref<128x128xf32, #tpu.memory_space<vmem>>) offsets(%dma_start3A_59 : memref<128xi32, #tpu.memory_space<vmem>>) semaphore(%arg9 : memref<!tpu.dma_semaphore, #tpu.memory_space<semaphore_mem>>)
    %dma_start3A_63 = arith.constant 3 : i32
    %dma_start3A_64 = arith.constant 384 : i32
    %dma_start3A_65 = arith.constant 0 : i32
    %dma_start3A_66 = tpu.memref_slice %arg8[%dma_start3A_64, %dma_start3A_65] : memref<512x128xf32, #tpu.memory_space<vmem>> -> memref<128x128xf32, #tpu.memory_space<vmem>>
    %dma_start3A_67 = arith.constant 0 : i32
    %dma_start3A_68 = tpu.memref_slice %arg6[%dma_start3A_63, %dma_start3A_67] : memref<4x128xi32, #tpu.memory_space<vmem>> -> memref<1x128xi32, #tpu.memory_space<vmem>>
    %dma_start3A_69 = tpu.memref_squeeze %dma_start3A_68 : memref<1x128xi32, #tpu.memory_space<vmem>> -> memref<128xi32, #tpu.memory_space<vmem>>
    %dma_start3A_70 = arith.constant 0 : i32
    %dma_start3A_71 = arith.constant 0 : i32
    %dma_start3A_72 = tpu.memref_slice %arg3[%dma_start3A_70, %dma_start3A_71] : memref<1000000x128xf32, #tpu.memory_space<hbm>> -> memref<1000000x128xf32, #tpu.memory_space<hbm>>
    tpu.enqueue_indirect_dma source(%dma_start3A_72 : memref<1000000x128xf32, #tpu.memory_space<hbm>>) target(%dma_start3A_66 : memref<128x128xf32, #tpu.memory_space<vmem>>) offsets(%dma_start3A_69 : memref<128xi32, #tpu.memory_space<vmem>>) semaphore(%arg9 : memref<!tpu.dma_semaphore, #tpu.memory_space<semaphore_mem>>)
    %dma_wait3A = arith.constant 0 : i32
    %dma_wait3A_73 = arith.constant 0 : i32
    %dma_wait3A_74 = arith.constant 0 : i32
    %dma_wait3A_75 = tpu.memref_slice %arg8[%dma_wait3A_73, %dma_wait3A_74] : memref<512x128xf32, #tpu.memory_space<vmem>> -> memref<128x128xf32, #tpu.memory_space<vmem>>
    %dma_wait3A_76 = arith.constant 0 : i32
    %dma_wait3A_77 = tpu.memref_slice %arg6[%dma_wait3A, %dma_wait3A_76] : memref<4x128xi32, #tpu.memory_space<vmem>> -> memref<1x128xi32, #tpu.memory_space<vmem>>
    %dma_wait3A_78 = tpu.memref_squeeze %dma_wait3A_77 : memref<1x128xi32, #tpu.memory_space<vmem>> -> memref<128xi32, #tpu.memory_space<vmem>>
    %dma_wait3A_79 = arith.constant 0 : i32
    %dma_wait3A_80 = arith.constant 0 : i32
    %dma_wait3A_81 = tpu.memref_slice %arg3[%dma_wait3A_79, %dma_wait3A_80] : memref<1000000x128xf32, #tpu.memory_space<hbm>> -> memref<1000000x128xf32, #tpu.memory_space<hbm>>
    tpu.wait_indirect_dma semaphore(%arg9 : memref<!tpu.dma_semaphore, #tpu.memory_space<semaphore_mem>>) src(%dma_wait3A_81 : memref<1000000x128xf32, #tpu.memory_space<hbm>>) dst(%dma_wait3A_75 : memref<128x128xf32, #tpu.memory_space<vmem>>)
    %dma_wait3A_82 = arith.constant 1 : i32
    %dma_wait3A_83 = arith.constant 128 : i32
    %dma_wait3A_84 = arith.constant 0 : i32
    %dma_wait3A_85 = tpu.memref_slice %arg8[%dma_wait3A_83, %dma_wait3A_84] : memref<512x128xf32, #tpu.memory_space<vmem>> -> memref<128x128xf32, #tpu.memory_space<vmem>>
    %dma_wait3A_86 = arith.constant 0 : i32
    %dma_wait3A_87 = tpu.memref_slice %arg6[%dma_wait3A_82, %dma_wait3A_86] : memref<4x128xi32, #tpu.memory_space<vmem>> -> memref<1x128xi32, #tpu.memory_space<vmem>>
    %dma_wait3A_88 = tpu.memref_squeeze %dma_wait3A_87 : memref<1x128xi32, #tpu.memory_space<vmem>> -> memref<128xi32, #tpu.memory_space<vmem>>
    %dma_wait3A_89 = arith.constant 0 : i32
    %dma_wait3A_90 = arith.constant 0 : i32
    %dma_wait3A_91 = tpu.memref_slice %arg3[%dma_wait3A_89, %dma_wait3A_90] : memref<1000000x128xf32, #tpu.memory_space<hbm>> -> memref<1000000x128xf32, #tpu.memory_space<hbm>>
    tpu.wait_indirect_dma semaphore(%arg9 : memref<!tpu.dma_semaphore, #tpu.memory_space<semaphore_mem>>) src(%dma_wait3A_91 : memref<1000000x128xf32, #tpu.memory_space<hbm>>) dst(%dma_wait3A_85 : memref<128x128xf32, #tpu.memory_space<vmem>>)
    %dma_wait3A_92 = arith.constant 2 : i32
    %dma_wait3A_93 = arith.constant 256 : i32
    %dma_wait3A_94 = arith.constant 0 : i32
    %dma_wait3A_95 = tpu.memref_slice %arg8[%dma_wait3A_93, %dma_wait3A_94] : memref<512x128xf32, #tpu.memory_space<vmem>> -> memref<128x128xf32, #tpu.memory_space<vmem>>
    %dma_wait3A_96 = arith.constant 0 : i32
    %dma_wait3A_97 = tpu.memref_slice %arg6[%dma_wait3A_92, %dma_wait3A_96] : memref<4x128xi32, #tpu.memory_space<vmem>> -> memref<1x128xi32, #tpu.memory_space<vmem>>
    %dma_wait3A_98 = tpu.memref_squeeze %dma_wait3A_97 : memref<1x128xi32, #tpu.memory_space<vmem>> -> memref<128xi32, #tpu.memory_space<vmem>>
    %dma_wait3A_99 = arith.constant 0 : i32
    %dma_wait3A_100 = arith.constant 0 : i32
    %dma_wait3A_101 = tpu.memref_slice %arg3[%dma_wait3A_99, %dma_wait3A_100] : memref<1000000x128xf32, #tpu.memory_space<hbm>> -> memref<1000000x128xf32, #tpu.memory_space<hbm>>
    tpu.wait_indirect_dma semaphore(%arg9 : memref<!tpu.dma_semaphore, #tpu.memory_space<semaphore_mem>>) src(%dma_wait3A_101 : memref<1000000x128xf32, #tpu.memory_space<hbm>>) dst(%dma_wait3A_95 : memref<128x128xf32, #tpu.memory_space<vmem>>)
    %dma_wait3A_102 = arith.constant 3 : i32
    %dma_wait3A_103 = arith.constant 384 : i32
    %dma_wait3A_104 = arith.constant 0 : i32
    %dma_wait3A_105 = tpu.memref_slice %arg8[%dma_wait3A_103, %dma_wait3A_104] : memref<512x128xf32, #tpu.memory_space<vmem>> -> memref<128x128xf32, #tpu.memory_space<vmem>>
    %dma_wait3A_106 = arith.constant 0 : i32
    %dma_wait3A_107 = tpu.memref_slice %arg6[%dma_wait3A_102, %dma_wait3A_106] : memref<4x128xi32, #tpu.memory_space<vmem>> -> memref<1x128xi32, #tpu.memory_space<vmem>>
    %dma_wait3A_108 = tpu.memref_squeeze %dma_wait3A_107 : memref<1x128xi32, #tpu.memory_space<vmem>> -> memref<128xi32, #tpu.memory_space<vmem>>
    %dma_wait3A_109 = arith.constant 0 : i32
    %dma_wait3A_110 = arith.constant 0 : i32
    %dma_wait3A_111 = tpu.memref_slice %arg3[%dma_wait3A_109, %dma_wait3A_110] : memref<1000000x128xf32, #tpu.memory_space<hbm>> -> memref<1000000x128xf32, #tpu.memory_space<hbm>>
    tpu.wait_indirect_dma semaphore(%arg9 : memref<!tpu.dma_semaphore, #tpu.memory_space<semaphore_mem>>) src(%dma_wait3A_111 : memref<1000000x128xf32, #tpu.memory_space<hbm>>) dst(%dma_wait3A_105 : memref<128x128xf32, #tpu.memory_space<vmem>>)
    "tpu.region"() ({
      %run_scoped3A_192 = tpu.sem_alloc : memref<!tpu.dma_semaphore, #tpu.memory_space<semaphore_mem>>
      %dma_start3A_193 = arith.constant 0 : i32
      %dma_start3A_194 = tpu.memref_slice %arg4[%mul3A_2, %dma_start3A_193] : memref<16384x128xf32, #tpu.memory_space<hbm>> -> memref<512x128xf32, #tpu.memory_space<hbm>>
      %dma_start3A_195 = arith.constant 0 : i32
      %dma_start3A_196 = tpu.memref_slice %arg4[%mul3A_2, %dma_start3A_195] : memref<16384x128xf32, #tpu.memory_space<hbm>> -> memref<512x128xf32, #tpu.memory_space<hbm>>
      tpu.enqueue_dma source(%arg8 : memref<512x128xf32, #tpu.memory_space<vmem>>) target(%dma_start3A_196 : memref<512x128xf32, #tpu.memory_space<hbm>>) target_semaphore(%run_scoped3A_192 : memref<!tpu.dma_semaphore, #tpu.memory_space<semaphore_mem>>)
      %dma_wait3A_197 = arith.constant 0 : i32
      %dma_wait3A_198 = tpu.memref_slice %arg4[%mul3A_2, %dma_wait3A_197] : memref<16384x128xf32, #tpu.memory_space<hbm>> -> memref<512x128xf32, #tpu.memory_space<hbm>>
      %dma_wait3A_199 = arith.constant 0 : i32
      %dma_wait3A_200 = tpu.memref_slice %arg4[%mul3A_2, %dma_wait3A_199] : memref<16384x128xf32, #tpu.memory_space<hbm>> -> memref<512x128xf32, #tpu.memory_space<hbm>>
      tpu.wait_dma2 semaphore(%run_scoped3A_192 : memref<!tpu.dma_semaphore, #tpu.memory_space<semaphore_mem>>) src(%arg8 : memref<512x128xf32, #tpu.memory_space<vmem>>) dst(%dma_wait3A_200 : memref<512x128xf32, #tpu.memory_space<hbm>>)
      tpu.yield
    }) : () -> ()
    %dma_start3A_112 = arith.constant 0 : i32
    %dma_start3A_113 = arith.constant 0 : i32
    %dma_start3A_114 = arith.constant 0 : i32
    %dma_start3A_115 = tpu.memref_slice %arg8[%dma_start3A_113, %dma_start3A_114] : memref<512x128xf32, #tpu.memory_space<vmem>> -> memref<128x128xf32, #tpu.memory_space<vmem>>
    %dma_start3A_116 = arith.constant 0 : i32
    %dma_start3A_117 = tpu.memref_slice %arg7[%dma_start3A_112, %dma_start3A_116] : memref<4x128xi32, #tpu.memory_space<vmem>> -> memref<1x128xi32, #tpu.memory_space<vmem>>
    %dma_start3A_118 = tpu.memref_squeeze %dma_start3A_117 : memref<1x128xi32, #tpu.memory_space<vmem>> -> memref<128xi32, #tpu.memory_space<vmem>>
    %dma_start3A_119 = arith.constant 0 : i32
    %dma_start3A_120 = arith.constant 0 : i32
    %dma_start3A_121 = tpu.memref_slice %arg3[%dma_start3A_119, %dma_start3A_120] : memref<1000000x128xf32, #tpu.memory_space<hbm>> -> memref<1000000x128xf32, #tpu.memory_space<hbm>>
    tpu.enqueue_indirect_dma source(%dma_start3A_121 : memref<1000000x128xf32, #tpu.memory_space<hbm>>) target(%dma_start3A_115 : memref<128x128xf32, #tpu.memory_space<vmem>>) offsets(%dma_start3A_118 : memref<128xi32, #tpu.memory_space<vmem>>) semaphore(%arg9 : memref<!tpu.dma_semaphore, #tpu.memory_space<semaphore_mem>>)
    %dma_start3A_122 = arith.constant 1 : i32
    %dma_start3A_123 = arith.constant 128 : i32
    %dma_start3A_124 = arith.constant 0 : i32
    %dma_start3A_125 = tpu.memref_slice %arg8[%dma_start3A_123, %dma_start3A_124] : memref<512x128xf32, #tpu.memory_space<vmem>> -> memref<128x128xf32, #tpu.memory_space<vmem>>
    %dma_start3A_126 = arith.constant 0 : i32
    %dma_start3A_127 = tpu.memref_slice %arg7[%dma_start3A_122, %dma_start3A_126] : memref<4x128xi32, #tpu.memory_space<vmem>> -> memref<1x128xi32, #tpu.memory_space<vmem>>
    %dma_start3A_128 = tpu.memref_squeeze %dma_start3A_127 : memref<1x128xi32, #tpu.memory_space<vmem>> -> memref<128xi32, #tpu.memory_space<vmem>>
    %dma_start3A_129 = arith.constant 0 : i32
    %dma_start3A_130 = arith.constant 0 : i32
    %dma_start3A_131 = tpu.memref_slice %arg3[%dma_start3A_129, %dma_start3A_130] : memref<1000000x128xf32, #tpu.memory_space<hbm>> -> memref<1000000x128xf32, #tpu.memory_space<hbm>>
    tpu.enqueue_indirect_dma source(%dma_start3A_131 : memref<1000000x128xf32, #tpu.memory_space<hbm>>) target(%dma_start3A_125 : memref<128x128xf32, #tpu.memory_space<vmem>>) offsets(%dma_start3A_128 : memref<128xi32, #tpu.memory_space<vmem>>) semaphore(%arg9 : memref<!tpu.dma_semaphore, #tpu.memory_space<semaphore_mem>>)
    %dma_start3A_132 = arith.constant 2 : i32
    %dma_start3A_133 = arith.constant 256 : i32
    %dma_start3A_134 = arith.constant 0 : i32
    %dma_start3A_135 = tpu.memref_slice %arg8[%dma_start3A_133, %dma_start3A_134] : memref<512x128xf32, #tpu.memory_space<vmem>> -> memref<128x128xf32, #tpu.memory_space<vmem>>
    %dma_start3A_136 = arith.constant 0 : i32
    %dma_start3A_137 = tpu.memref_slice %arg7[%dma_start3A_132, %dma_start3A_136] : memref<4x128xi32, #tpu.memory_space<vmem>> -> memref<1x128xi32, #tpu.memory_space<vmem>>
    %dma_start3A_138 = tpu.memref_squeeze %dma_start3A_137 : memref<1x128xi32, #tpu.memory_space<vmem>> -> memref<128xi32, #tpu.memory_space<vmem>>
    %dma_start3A_139 = arith.constant 0 : i32
    %dma_start3A_140 = arith.constant 0 : i32
    %dma_start3A_141 = tpu.memref_slice %arg3[%dma_start3A_139, %dma_start3A_140] : memref<1000000x128xf32, #tpu.memory_space<hbm>> -> memref<1000000x128xf32, #tpu.memory_space<hbm>>
    tpu.enqueue_indirect_dma source(%dma_start3A_141 : memref<1000000x128xf32, #tpu.memory_space<hbm>>) target(%dma_start3A_135 : memref<128x128xf32, #tpu.memory_space<vmem>>) offsets(%dma_start3A_138 : memref<128xi32, #tpu.memory_space<vmem>>) semaphore(%arg9 : memref<!tpu.dma_semaphore, #tpu.memory_space<semaphore_mem>>)
    %dma_start3A_142 = arith.constant 3 : i32
    %dma_start3A_143 = arith.constant 384 : i32
    %dma_start3A_144 = arith.constant 0 : i32
    %dma_start3A_145 = tpu.memref_slice %arg8[%dma_start3A_143, %dma_start3A_144] : memref<512x128xf32, #tpu.memory_space<vmem>> -> memref<128x128xf32, #tpu.memory_space<vmem>>
    %dma_start3A_146 = arith.constant 0 : i32
    %dma_start3A_147 = tpu.memref_slice %arg7[%dma_start3A_142, %dma_start3A_146] : memref<4x128xi32, #tpu.memory_space<vmem>> -> memref<1x128xi32, #tpu.memory_space<vmem>>
    %dma_start3A_148 = tpu.memref_squeeze %dma_start3A_147 : memref<1x128xi32, #tpu.memory_space<vmem>> -> memref<128xi32, #tpu.memory_space<vmem>>
    %dma_start3A_149 = arith.constant 0 : i32
    %dma_start3A_150 = arith.constant 0 : i32
    %dma_start3A_151 = tpu.memref_slice %arg3[%dma_start3A_149, %dma_start3A_150] : memref<1000000x128xf32, #tpu.memory_space<hbm>> -> memref<1000000x128xf32, #tpu.memory_space<hbm>>
    tpu.enqueue_indirect_dma source(%dma_start3A_151 : memref<1000000x128xf32, #tpu.memory_space<hbm>>) target(%dma_start3A_145 : memref<128x128xf32, #tpu.memory_space<vmem>>) offsets(%dma_start3A_148 : memref<128xi32, #tpu.memory_space<vmem>>) semaphore(%arg9 : memref<!tpu.dma_semaphore, #tpu.memory_space<semaphore_mem>>)
    %dma_wait3A_152 = arith.constant 0 : i32
    %dma_wait3A_153 = arith.constant 0 : i32
    %dma_wait3A_154 = arith.constant 0 : i32
    %dma_wait3A_155 = tpu.memref_slice %arg8[%dma_wait3A_153, %dma_wait3A_154] : memref<512x128xf32, #tpu.memory_space<vmem>> -> memref<128x128xf32, #tpu.memory_space<vmem>>
    %dma_wait3A_156 = arith.constant 0 : i32
    %dma_wait3A_157 = tpu.memref_slice %arg7[%dma_wait3A_152, %dma_wait3A_156] : memref<4x128xi32, #tpu.memory_space<vmem>> -> memref<1x128xi32, #tpu.memory_space<vmem>>
    %dma_wait3A_158 = tpu.memref_squeeze %dma_wait3A_157 : memref<1x128xi32, #tpu.memory_space<vmem>> -> memref<128xi32, #tpu.memory_space<vmem>>
    %dma_wait3A_159 = arith.constant 0 : i32
    %dma_wait3A_160 = arith.constant 0 : i32
    %dma_wait3A_161 = tpu.memref_slice %arg3[%dma_wait3A_159, %dma_wait3A_160] : memref<1000000x128xf32, #tpu.memory_space<hbm>> -> memref<1000000x128xf32, #tpu.memory_space<hbm>>
    tpu.wait_indirect_dma semaphore(%arg9 : memref<!tpu.dma_semaphore, #tpu.memory_space<semaphore_mem>>) src(%dma_wait3A_161 : memref<1000000x128xf32, #tpu.memory_space<hbm>>) dst(%dma_wait3A_155 : memref<128x128xf32, #tpu.memory_space<vmem>>)
    %dma_wait3A_162 = arith.constant 1 : i32
    %dma_wait3A_163 = arith.constant 128 : i32
    %dma_wait3A_164 = arith.constant 0 : i32
    %dma_wait3A_165 = tpu.memref_slice %arg8[%dma_wait3A_163, %dma_wait3A_164] : memref<512x128xf32, #tpu.memory_space<vmem>> -> memref<128x128xf32, #tpu.memory_space<vmem>>
    %dma_wait3A_166 = arith.constant 0 : i32
    %dma_wait3A_167 = tpu.memref_slice %arg7[%dma_wait3A_162, %dma_wait3A_166] : memref<4x128xi32, #tpu.memory_space<vmem>> -> memref<1x128xi32, #tpu.memory_space<vmem>>
    %dma_wait3A_168 = tpu.memref_squeeze %dma_wait3A_167 : memref<1x128xi32, #tpu.memory_space<vmem>> -> memref<128xi32, #tpu.memory_space<vmem>>
    %dma_wait3A_169 = arith.constant 0 : i32
    %dma_wait3A_170 = arith.constant 0 : i32
    %dma_wait3A_171 = tpu.memref_slice %arg3[%dma_wait3A_169, %dma_wait3A_170] : memref<1000000x128xf32, #tpu.memory_space<hbm>> -> memref<1000000x128xf32, #tpu.memory_space<hbm>>
    tpu.wait_indirect_dma semaphore(%arg9 : memref<!tpu.dma_semaphore, #tpu.memory_space<semaphore_mem>>) src(%dma_wait3A_171 : memref<1000000x128xf32, #tpu.memory_space<hbm>>) dst(%dma_wait3A_165 : memref<128x128xf32, #tpu.memory_space<vmem>>)
    %dma_wait3A_172 = arith.constant 2 : i32
    %dma_wait3A_173 = arith.constant 256 : i32
    %dma_wait3A_174 = arith.constant 0 : i32
    %dma_wait3A_175 = tpu.memref_slice %arg8[%dma_wait3A_173, %dma_wait3A_174] : memref<512x128xf32, #tpu.memory_space<vmem>> -> memref<128x128xf32, #tpu.memory_space<vmem>>
    %dma_wait3A_176 = arith.constant 0 : i32
    %dma_wait3A_177 = tpu.memref_slice %arg7[%dma_wait3A_172, %dma_wait3A_176] : memref<4x128xi32, #tpu.memory_space<vmem>> -> memref<1x128xi32, #tpu.memory_space<vmem>>
    %dma_wait3A_178 = tpu.memref_squeeze %dma_wait3A_177 : memref<1x128xi32, #tpu.memory_space<vmem>> -> memref<128xi32, #tpu.memory_space<vmem>>
    %dma_wait3A_179 = arith.constant 0 : i32
    %dma_wait3A_180 = arith.constant 0 : i32
    %dma_wait3A_181 = tpu.memref_slice %arg3[%dma_wait3A_179, %dma_wait3A_180] : memref<1000000x128xf32, #tpu.memory_space<hbm>> -> memref<1000000x128xf32, #tpu.memory_space<hbm>>
    tpu.wait_indirect_dma semaphore(%arg9 : memref<!tpu.dma_semaphore, #tpu.memory_space<semaphore_mem>>) src(%dma_wait3A_181 : memref<1000000x128xf32, #tpu.memory_space<hbm>>) dst(%dma_wait3A_175 : memref<128x128xf32, #tpu.memory_space<vmem>>)
    %dma_wait3A_182 = arith.constant 3 : i32
    %dma_wait3A_183 = arith.constant 384 : i32
    %dma_wait3A_184 = arith.constant 0 : i32
    %dma_wait3A_185 = tpu.memref_slice %arg8[%dma_wait3A_183, %dma_wait3A_184] : memref<512x128xf32, #tpu.memory_space<vmem>> -> memref<128x128xf32, #tpu.memory_space<vmem>>
    %dma_wait3A_186 = arith.constant 0 : i32
    %dma_wait3A_187 = tpu.memref_slice %arg7[%dma_wait3A_182, %dma_wait3A_186] : memref<4x128xi32, #tpu.memory_space<vmem>> -> memref<1x128xi32, #tpu.memory_space<vmem>>
    %dma_wait3A_188 = tpu.memref_squeeze %dma_wait3A_187 : memref<1x128xi32, #tpu.memory_space<vmem>> -> memref<128xi32, #tpu.memory_space<vmem>>
    %dma_wait3A_189 = arith.constant 0 : i32
    %dma_wait3A_190 = arith.constant 0 : i32
    %dma_wait3A_191 = tpu.memref_slice %arg3[%dma_wait3A_189, %dma_wait3A_190] : memref<1000000x128xf32, #tpu.memory_space<hbm>> -> memref<1000000x128xf32, #tpu.memory_space<hbm>>
    tpu.wait_indirect_dma semaphore(%arg9 : memref<!tpu.dma_semaphore, #tpu.memory_space<semaphore_mem>>) src(%dma_wait3A_191 : memref<1000000x128xf32, #tpu.memory_space<hbm>>) dst(%dma_wait3A_185 : memref<128x128xf32, #tpu.memory_space<vmem>>)
    "tpu.region"() ({
      %run_scoped3A_192 = tpu.sem_alloc : memref<!tpu.dma_semaphore, #tpu.memory_space<semaphore_mem>>
      %dma_start3A_193 = arith.constant 0 : i32
      %dma_start3A_194 = tpu.memref_slice %arg5[%mul3A_2, %dma_start3A_193] : memref<16384x128xf32, #tpu.memory_space<hbm>> -> memref<512x128xf32, #tpu.memory_space<hbm>>
      %dma_start3A_195 = arith.constant 0 : i32
      %dma_start3A_196 = tpu.memref_slice %arg5[%mul3A_2, %dma_start3A_195] : memref<16384x128xf32, #tpu.memory_space<hbm>> -> memref<512x128xf32, #tpu.memory_space<hbm>>
      tpu.enqueue_dma source(%arg8 : memref<512x128xf32, #tpu.memory_space<vmem>>) target(%dma_start3A_196 : memref<512x128xf32, #tpu.memory_space<hbm>>) target_semaphore(%run_scoped3A_192 : memref<!tpu.dma_semaphore, #tpu.memory_space<semaphore_mem>>)
      %dma_wait3A_197 = arith.constant 0 : i32
      %dma_wait3A_198 = tpu.memref_slice %arg5[%mul3A_2, %dma_wait3A_197] : memref<16384x128xf32, #tpu.memory_space<hbm>> -> memref<512x128xf32, #tpu.memory_space<hbm>>
      %dma_wait3A_199 = arith.constant 0 : i32
      %dma_wait3A_200 = tpu.memref_slice %arg5[%mul3A_2, %dma_wait3A_199] : memref<16384x128xf32, #tpu.memory_space<hbm>> -> memref<512x128xf32, #tpu.memory_space<hbm>>
      tpu.wait_dma2 semaphore(%run_scoped3A_192 : memref<!tpu.dma_semaphore, #tpu.memory_space<semaphore_mem>>) src(%arg8 : memref<512x128xf32, #tpu.memory_space<vmem>>) dst(%dma_wait3A_200 : memref<512x128xf32, #tpu.memory_space<hbm>>)
      tpu.yield
    }) : () -> ()
    return
  }
}

#map = affine_map<(d0, d1) -> (0, 0, 0)>
#map1 = affine_map<(d0, d1) -> (0, 0)>
module attributes {stable_mosaic.version = 14 : i64} {
  func.func @_gather_r_body(%arg0: i32, %arg1: i32, %arg2: memref<3x1x16384xi32, #tpu.memory_space<hbm>>, %arg3: memref<50000x128xf32, #tpu.memory_space<hbm>>, %arg4: memref<16384x128xf32, #tpu.memory_space<hbm>>, %arg5: memref<4x128xi32, #tpu.memory_space<vmem>>, %arg6: memref<512x128xf32, #tpu.memory_space<vmem>>, %arg7: memref<!tpu.dma_semaphore, #tpu.memory_space<semaphore_mem>>, %arg8: memref<!tpu.dma_semaphore, #tpu.memory_space<semaphore_mem>>) attributes {dimension_semantics = [#tpu.dimension_semantics<core_parallel>, #tpu.dimension_semantics<subcore_parallel>], iteration_bounds = array<i64: 2, 16>, scalar_prefetch = 0 : i64, scratch_operands = 4 : i64, tpu.core_type = #tpu.core_type<sc_vector_subcore>, window_params = [{transform_indices = #map}, {transform_indices = #map1}, {transform_indices = #map1}]} {
    %mul3A = arith.constant 2 : i32
    %mul3A_0 = arith.muli %arg1, %mul3A : i32
    %add3A = arith.addi %mul3A_0, %arg0 : i32
    %mul3A_1 = arith.constant 512 : i32
    %mul3A_2 = arith.muli %add3A, %mul3A_1 : i32
    %add3A_3 = arith.constant 0 : i32
    %add3A_4 = arith.addi %mul3A_2, %add3A_3 : i32
    %run_scoped3A = arith.constant 2 : i32
    %run_scoped3A_5 = arith.constant 0 : i32
    %run_scoped3A_6 = arith.constant 0 : i32
    "tpu.region"() ({
      %run_scoped3A_188 = tpu.sem_alloc : memref<!tpu.dma_semaphore, #tpu.memory_space<semaphore_mem>>
      %dma_start3A_189 = arith.constant 0 : i32
      %dma_start3A_190 = tpu.memref_slice %arg5[%run_scoped3A_6, %dma_start3A_189] : memref<4x128xi32, #tpu.memory_space<vmem>> -> memref<1x128xi32, #tpu.memory_space<vmem>>
      %dma_start3A_191 = tpu.memref_squeeze %dma_start3A_190 : memref<1x128xi32, #tpu.memory_space<vmem>> -> memref<128xi32, #tpu.memory_space<vmem>>
      %dma_start3A_192 = tpu.memref_slice %arg2[%run_scoped3A, %run_scoped3A_5, %add3A_4] : memref<3x1x16384xi32, #tpu.memory_space<hbm>> -> memref<1x1x128xi32, #tpu.memory_space<hbm>>
      %dma_start3A_193 = tpu.memref_squeeze %dma_start3A_192 : memref<1x1x128xi32, #tpu.memory_space<hbm>> -> memref<128xi32, #tpu.memory_space<hbm>>
      %dma_start3A_194 = arith.constant 0 : i32
      %dma_start3A_195 = tpu.memref_slice %arg5[%run_scoped3A_6, %dma_start3A_194] : memref<4x128xi32, #tpu.memory_space<vmem>> -> memref<1x128xi32, #tpu.memory_space<vmem>>
      %dma_start3A_196 = tpu.memref_squeeze %dma_start3A_195 : memref<1x128xi32, #tpu.memory_space<vmem>> -> memref<128xi32, #tpu.memory_space<vmem>>
      %dma_start3A_197 = tpu.memref_slice %arg2[%run_scoped3A, %run_scoped3A_5, %add3A_4] : memref<3x1x16384xi32, #tpu.memory_space<hbm>> -> memref<1x1x128xi32, #tpu.memory_space<hbm>>
      %dma_start3A_198 = tpu.memref_squeeze %dma_start3A_197 : memref<1x1x128xi32, #tpu.memory_space<hbm>> -> memref<128xi32, #tpu.memory_space<hbm>>
      tpu.enqueue_dma source(%dma_start3A_198 : memref<128xi32, #tpu.memory_space<hbm>>) target(%dma_start3A_196 : memref<128xi32, #tpu.memory_space<vmem>>) target_semaphore(%run_scoped3A_188 : memref<!tpu.dma_semaphore, #tpu.memory_space<semaphore_mem>>)
      %dma_wait3A_199 = arith.constant 0 : i32
      %dma_wait3A_200 = tpu.memref_slice %arg5[%run_scoped3A_6, %dma_wait3A_199] : memref<4x128xi32, #tpu.memory_space<vmem>> -> memref<1x128xi32, #tpu.memory_space<vmem>>
      %dma_wait3A_201 = tpu.memref_squeeze %dma_wait3A_200 : memref<1x128xi32, #tpu.memory_space<vmem>> -> memref<128xi32, #tpu.memory_space<vmem>>
      %dma_wait3A_202 = tpu.memref_slice %arg2[%run_scoped3A, %run_scoped3A_5, %add3A_4] : memref<3x1x16384xi32, #tpu.memory_space<hbm>> -> memref<1x1x128xi32, #tpu.memory_space<hbm>>
      %dma_wait3A_203 = tpu.memref_squeeze %dma_wait3A_202 : memref<1x1x128xi32, #tpu.memory_space<hbm>> -> memref<128xi32, #tpu.memory_space<hbm>>
      %dma_wait3A_204 = arith.constant 0 : i32
      %dma_wait3A_205 = tpu.memref_slice %arg5[%run_scoped3A_6, %dma_wait3A_204] : memref<4x128xi32, #tpu.memory_space<vmem>> -> memref<1x128xi32, #tpu.memory_space<vmem>>
      %dma_wait3A_206 = tpu.memref_squeeze %dma_wait3A_205 : memref<1x128xi32, #tpu.memory_space<vmem>> -> memref<128xi32, #tpu.memory_space<vmem>>
      %dma_wait3A_207 = tpu.memref_slice %arg2[%run_scoped3A, %run_scoped3A_5, %add3A_4] : memref<3x1x16384xi32, #tpu.memory_space<hbm>> -> memref<1x1x128xi32, #tpu.memory_space<hbm>>
      %dma_wait3A_208 = tpu.memref_squeeze %dma_wait3A_207 : memref<1x1x128xi32, #tpu.memory_space<hbm>> -> memref<128xi32, #tpu.memory_space<hbm>>
      tpu.wait_dma2 semaphore(%run_scoped3A_188 : memref<!tpu.dma_semaphore, #tpu.memory_space<semaphore_mem>>) src(%dma_wait3A_208 : memref<128xi32, #tpu.memory_space<hbm>>) dst(%dma_wait3A_206 : memref<128xi32, #tpu.memory_space<vmem>>)
      tpu.yield
    }) : () -> ()
    %add3A_7 = arith.constant 128 : i32
    %add3A_8 = arith.addi %mul3A_2, %add3A_7 : i32
    %run_scoped3A_9 = arith.constant 2 : i32
    %run_scoped3A_10 = arith.constant 0 : i32
    %run_scoped3A_11 = arith.constant 1 : i32
    "tpu.region"() ({
      %run_scoped3A_188 = tpu.sem_alloc : memref<!tpu.dma_semaphore, #tpu.memory_space<semaphore_mem>>
      %dma_start3A_189 = arith.constant 0 : i32
      %dma_start3A_190 = tpu.memref_slice %arg5[%run_scoped3A_11, %dma_start3A_189] : memref<4x128xi32, #tpu.memory_space<vmem>> -> memref<1x128xi32, #tpu.memory_space<vmem>>
      %dma_start3A_191 = tpu.memref_squeeze %dma_start3A_190 : memref<1x128xi32, #tpu.memory_space<vmem>> -> memref<128xi32, #tpu.memory_space<vmem>>
      %dma_start3A_192 = tpu.memref_slice %arg2[%run_scoped3A_9, %run_scoped3A_10, %add3A_8] : memref<3x1x16384xi32, #tpu.memory_space<hbm>> -> memref<1x1x128xi32, #tpu.memory_space<hbm>>
      %dma_start3A_193 = tpu.memref_squeeze %dma_start3A_192 : memref<1x1x128xi32, #tpu.memory_space<hbm>> -> memref<128xi32, #tpu.memory_space<hbm>>
      %dma_start3A_194 = arith.constant 0 : i32
      %dma_start3A_195 = tpu.memref_slice %arg5[%run_scoped3A_11, %dma_start3A_194] : memref<4x128xi32, #tpu.memory_space<vmem>> -> memref<1x128xi32, #tpu.memory_space<vmem>>
      %dma_start3A_196 = tpu.memref_squeeze %dma_start3A_195 : memref<1x128xi32, #tpu.memory_space<vmem>> -> memref<128xi32, #tpu.memory_space<vmem>>
      %dma_start3A_197 = tpu.memref_slice %arg2[%run_scoped3A_9, %run_scoped3A_10, %add3A_8] : memref<3x1x16384xi32, #tpu.memory_space<hbm>> -> memref<1x1x128xi32, #tpu.memory_space<hbm>>
      %dma_start3A_198 = tpu.memref_squeeze %dma_start3A_197 : memref<1x1x128xi32, #tpu.memory_space<hbm>> -> memref<128xi32, #tpu.memory_space<hbm>>
      tpu.enqueue_dma source(%dma_start3A_198 : memref<128xi32, #tpu.memory_space<hbm>>) target(%dma_start3A_196 : memref<128xi32, #tpu.memory_space<vmem>>) target_semaphore(%run_scoped3A_188 : memref<!tpu.dma_semaphore, #tpu.memory_space<semaphore_mem>>)
      %dma_wait3A_199 = arith.constant 0 : i32
      %dma_wait3A_200 = tpu.memref_slice %arg5[%run_scoped3A_11, %dma_wait3A_199] : memref<4x128xi32, #tpu.memory_space<vmem>> -> memref<1x128xi32, #tpu.memory_space<vmem>>
      %dma_wait3A_201 = tpu.memref_squeeze %dma_wait3A_200 : memref<1x128xi32, #tpu.memory_space<vmem>> -> memref<128xi32, #tpu.memory_space<vmem>>
      %dma_wait3A_202 = tpu.memref_slice %arg2[%run_scoped3A_9, %run_scoped3A_10, %add3A_8] : memref<3x1x16384xi32, #tpu.memory_space<hbm>> -> memref<1x1x128xi32, #tpu.memory_space<hbm>>
      %dma_wait3A_203 = tpu.memref_squeeze %dma_wait3A_202 : memref<1x1x128xi32, #tpu.memory_space<hbm>> -> memref<128xi32, #tpu.memory_space<hbm>>
      %dma_wait3A_204 = arith.constant 0 : i32
      %dma_wait3A_205 = tpu.memref_slice %arg5[%run_scoped3A_11, %dma_wait3A_204] : memref<4x128xi32, #tpu.memory_space<vmem>> -> memref<1x128xi32, #tpu.memory_space<vmem>>
      %dma_wait3A_206 = tpu.memref_squeeze %dma_wait3A_205 : memref<1x128xi32, #tpu.memory_space<vmem>> -> memref<128xi32, #tpu.memory_space<vmem>>
      %dma_wait3A_207 = tpu.memref_slice %arg2[%run_scoped3A_9, %run_scoped3A_10, %add3A_8] : memref<3x1x16384xi32, #tpu.memory_space<hbm>> -> memref<1x1x128xi32, #tpu.memory_space<hbm>>
      %dma_wait3A_208 = tpu.memref_squeeze %dma_wait3A_207 : memref<1x1x128xi32, #tpu.memory_space<hbm>> -> memref<128xi32, #tpu.memory_space<hbm>>
      tpu.wait_dma2 semaphore(%run_scoped3A_188 : memref<!tpu.dma_semaphore, #tpu.memory_space<semaphore_mem>>) src(%dma_wait3A_208 : memref<128xi32, #tpu.memory_space<hbm>>) dst(%dma_wait3A_206 : memref<128xi32, #tpu.memory_space<vmem>>)
      tpu.yield
    }) : () -> ()
    %add3A_12 = arith.constant 256 : i32
    %add3A_13 = arith.addi %mul3A_2, %add3A_12 : i32
    %run_scoped3A_14 = arith.constant 2 : i32
    %run_scoped3A_15 = arith.constant 0 : i32
    %run_scoped3A_16 = arith.constant 2 : i32
    "tpu.region"() ({
      %run_scoped3A_188 = tpu.sem_alloc : memref<!tpu.dma_semaphore, #tpu.memory_space<semaphore_mem>>
      %dma_start3A_189 = arith.constant 0 : i32
      %dma_start3A_190 = tpu.memref_slice %arg5[%run_scoped3A_16, %dma_start3A_189] : memref<4x128xi32, #tpu.memory_space<vmem>> -> memref<1x128xi32, #tpu.memory_space<vmem>>
      %dma_start3A_191 = tpu.memref_squeeze %dma_start3A_190 : memref<1x128xi32, #tpu.memory_space<vmem>> -> memref<128xi32, #tpu.memory_space<vmem>>
      %dma_start3A_192 = tpu.memref_slice %arg2[%run_scoped3A_14, %run_scoped3A_15, %add3A_13] : memref<3x1x16384xi32, #tpu.memory_space<hbm>> -> memref<1x1x128xi32, #tpu.memory_space<hbm>>
      %dma_start3A_193 = tpu.memref_squeeze %dma_start3A_192 : memref<1x1x128xi32, #tpu.memory_space<hbm>> -> memref<128xi32, #tpu.memory_space<hbm>>
      %dma_start3A_194 = arith.constant 0 : i32
      %dma_start3A_195 = tpu.memref_slice %arg5[%run_scoped3A_16, %dma_start3A_194] : memref<4x128xi32, #tpu.memory_space<vmem>> -> memref<1x128xi32, #tpu.memory_space<vmem>>
      %dma_start3A_196 = tpu.memref_squeeze %dma_start3A_195 : memref<1x128xi32, #tpu.memory_space<vmem>> -> memref<128xi32, #tpu.memory_space<vmem>>
      %dma_start3A_197 = tpu.memref_slice %arg2[%run_scoped3A_14, %run_scoped3A_15, %add3A_13] : memref<3x1x16384xi32, #tpu.memory_space<hbm>> -> memref<1x1x128xi32, #tpu.memory_space<hbm>>
      %dma_start3A_198 = tpu.memref_squeeze %dma_start3A_197 : memref<1x1x128xi32, #tpu.memory_space<hbm>> -> memref<128xi32, #tpu.memory_space<hbm>>
      tpu.enqueue_dma source(%dma_start3A_198 : memref<128xi32, #tpu.memory_space<hbm>>) target(%dma_start3A_196 : memref<128xi32, #tpu.memory_space<vmem>>) target_semaphore(%run_scoped3A_188 : memref<!tpu.dma_semaphore, #tpu.memory_space<semaphore_mem>>)
      %dma_wait3A_199 = arith.constant 0 : i32
      %dma_wait3A_200 = tpu.memref_slice %arg5[%run_scoped3A_16, %dma_wait3A_199] : memref<4x128xi32, #tpu.memory_space<vmem>> -> memref<1x128xi32, #tpu.memory_space<vmem>>
      %dma_wait3A_201 = tpu.memref_squeeze %dma_wait3A_200 : memref<1x128xi32, #tpu.memory_space<vmem>> -> memref<128xi32, #tpu.memory_space<vmem>>
      %dma_wait3A_202 = tpu.memref_slice %arg2[%run_scoped3A_14, %run_scoped3A_15, %add3A_13] : memref<3x1x16384xi32, #tpu.memory_space<hbm>> -> memref<1x1x128xi32, #tpu.memory_space<hbm>>
      %dma_wait3A_203 = tpu.memref_squeeze %dma_wait3A_202 : memref<1x1x128xi32, #tpu.memory_space<hbm>> -> memref<128xi32, #tpu.memory_space<hbm>>
      %dma_wait3A_204 = arith.constant 0 : i32
      %dma_wait3A_205 = tpu.memref_slice %arg5[%run_scoped3A_16, %dma_wait3A_204] : memref<4x128xi32, #tpu.memory_space<vmem>> -> memref<1x128xi32, #tpu.memory_space<vmem>>
      %dma_wait3A_206 = tpu.memref_squeeze %dma_wait3A_205 : memref<1x128xi32, #tpu.memory_space<vmem>> -> memref<128xi32, #tpu.memory_space<vmem>>
      %dma_wait3A_207 = tpu.memref_slice %arg2[%run_scoped3A_14, %run_scoped3A_15, %add3A_13] : memref<3x1x16384xi32, #tpu.memory_space<hbm>> -> memref<1x1x128xi32, #tpu.memory_space<hbm>>
      %dma_wait3A_208 = tpu.memref_squeeze %dma_wait3A_207 : memref<1x1x128xi32, #tpu.memory_space<hbm>> -> memref<128xi32, #tpu.memory_space<hbm>>
      tpu.wait_dma2 semaphore(%run_scoped3A_188 : memref<!tpu.dma_semaphore, #tpu.memory_space<semaphore_mem>>) src(%dma_wait3A_208 : memref<128xi32, #tpu.memory_space<hbm>>) dst(%dma_wait3A_206 : memref<128xi32, #tpu.memory_space<vmem>>)
      tpu.yield
    }) : () -> ()
    %add3A_17 = arith.constant 384 : i32
    %add3A_18 = arith.addi %mul3A_2, %add3A_17 : i32
    %run_scoped3A_19 = arith.constant 2 : i32
    %run_scoped3A_20 = arith.constant 0 : i32
    %run_scoped3A_21 = arith.constant 3 : i32
    "tpu.region"() ({
      %run_scoped3A_188 = tpu.sem_alloc : memref<!tpu.dma_semaphore, #tpu.memory_space<semaphore_mem>>
      %dma_start3A_189 = arith.constant 0 : i32
      %dma_start3A_190 = tpu.memref_slice %arg5[%run_scoped3A_21, %dma_start3A_189] : memref<4x128xi32, #tpu.memory_space<vmem>> -> memref<1x128xi32, #tpu.memory_space<vmem>>
      %dma_start3A_191 = tpu.memref_squeeze %dma_start3A_190 : memref<1x128xi32, #tpu.memory_space<vmem>> -> memref<128xi32, #tpu.memory_space<vmem>>
      %dma_start3A_192 = tpu.memref_slice %arg2[%run_scoped3A_19, %run_scoped3A_20, %add3A_18] : memref<3x1x16384xi32, #tpu.memory_space<hbm>> -> memref<1x1x128xi32, #tpu.memory_space<hbm>>
      %dma_start3A_193 = tpu.memref_squeeze %dma_start3A_192 : memref<1x1x128xi32, #tpu.memory_space<hbm>> -> memref<128xi32, #tpu.memory_space<hbm>>
      %dma_start3A_194 = arith.constant 0 : i32
      %dma_start3A_195 = tpu.memref_slice %arg5[%run_scoped3A_21, %dma_start3A_194] : memref<4x128xi32, #tpu.memory_space<vmem>> -> memref<1x128xi32, #tpu.memory_space<vmem>>
      %dma_start3A_196 = tpu.memref_squeeze %dma_start3A_195 : memref<1x128xi32, #tpu.memory_space<vmem>> -> memref<128xi32, #tpu.memory_space<vmem>>
      %dma_start3A_197 = tpu.memref_slice %arg2[%run_scoped3A_19, %run_scoped3A_20, %add3A_18] : memref<3x1x16384xi32, #tpu.memory_space<hbm>> -> memref<1x1x128xi32, #tpu.memory_space<hbm>>
      %dma_start3A_198 = tpu.memref_squeeze %dma_start3A_197 : memref<1x1x128xi32, #tpu.memory_space<hbm>> -> memref<128xi32, #tpu.memory_space<hbm>>
      tpu.enqueue_dma source(%dma_start3A_198 : memref<128xi32, #tpu.memory_space<hbm>>) target(%dma_start3A_196 : memref<128xi32, #tpu.memory_space<vmem>>) target_semaphore(%run_scoped3A_188 : memref<!tpu.dma_semaphore, #tpu.memory_space<semaphore_mem>>)
      %dma_wait3A_199 = arith.constant 0 : i32
      %dma_wait3A_200 = tpu.memref_slice %arg5[%run_scoped3A_21, %dma_wait3A_199] : memref<4x128xi32, #tpu.memory_space<vmem>> -> memref<1x128xi32, #tpu.memory_space<vmem>>
      %dma_wait3A_201 = tpu.memref_squeeze %dma_wait3A_200 : memref<1x128xi32, #tpu.memory_space<vmem>> -> memref<128xi32, #tpu.memory_space<vmem>>
      %dma_wait3A_202 = tpu.memref_slice %arg2[%run_scoped3A_19, %run_scoped3A_20, %add3A_18] : memref<3x1x16384xi32, #tpu.memory_space<hbm>> -> memref<1x1x128xi32, #tpu.memory_space<hbm>>
      %dma_wait3A_203 = tpu.memref_squeeze %dma_wait3A_202 : memref<1x1x128xi32, #tpu.memory_space<hbm>> -> memref<128xi32, #tpu.memory_space<hbm>>
      %dma_wait3A_204 = arith.constant 0 : i32
      %dma_wait3A_205 = tpu.memref_slice %arg5[%run_scoped3A_21, %dma_wait3A_204] : memref<4x128xi32, #tpu.memory_space<vmem>> -> memref<1x128xi32, #tpu.memory_space<vmem>>
      %dma_wait3A_206 = tpu.memref_squeeze %dma_wait3A_205 : memref<1x128xi32, #tpu.memory_space<vmem>> -> memref<128xi32, #tpu.memory_space<vmem>>
      %dma_wait3A_207 = tpu.memref_slice %arg2[%run_scoped3A_19, %run_scoped3A_20, %add3A_18] : memref<3x1x16384xi32, #tpu.memory_space<hbm>> -> memref<1x1x128xi32, #tpu.memory_space<hbm>>
      %dma_wait3A_208 = tpu.memref_squeeze %dma_wait3A_207 : memref<1x1x128xi32, #tpu.memory_space<hbm>> -> memref<128xi32, #tpu.memory_space<hbm>>
      tpu.wait_dma2 semaphore(%run_scoped3A_188 : memref<!tpu.dma_semaphore, #tpu.memory_space<semaphore_mem>>) src(%dma_wait3A_208 : memref<128xi32, #tpu.memory_space<hbm>>) dst(%dma_wait3A_206 : memref<128xi32, #tpu.memory_space<vmem>>)
      tpu.yield
    }) : () -> ()
    %dma_start3A = arith.constant 0 : i32
    %dma_start3A_22 = arith.constant 0 : i32
    %dma_start3A_23 = arith.constant 0 : i32
    %dma_start3A_24 = tpu.memref_slice %arg6[%dma_start3A_22, %dma_start3A_23] : memref<512x128xf32, #tpu.memory_space<vmem>> -> memref<128x128xf32, #tpu.memory_space<vmem>>
    %dma_start3A_25 = arith.constant 0 : i32
    %dma_start3A_26 = tpu.memref_slice %arg5[%dma_start3A, %dma_start3A_25] : memref<4x128xi32, #tpu.memory_space<vmem>> -> memref<1x128xi32, #tpu.memory_space<vmem>>
    %dma_start3A_27 = tpu.memref_squeeze %dma_start3A_26 : memref<1x128xi32, #tpu.memory_space<vmem>> -> memref<128xi32, #tpu.memory_space<vmem>>
    %dma_start3A_28 = arith.constant 0 : i32
    %dma_start3A_29 = arith.constant 0 : i32
    %dma_start3A_30 = tpu.memref_slice %arg3[%dma_start3A_28, %dma_start3A_29] : memref<50000x128xf32, #tpu.memory_space<hbm>> -> memref<50000x128xf32, #tpu.memory_space<hbm>>
    tpu.enqueue_indirect_dma source(%dma_start3A_30 : memref<50000x128xf32, #tpu.memory_space<hbm>>) target(%dma_start3A_24 : memref<128x128xf32, #tpu.memory_space<vmem>>) offsets(%dma_start3A_27 : memref<128xi32, #tpu.memory_space<vmem>>) semaphore(%arg7 : memref<!tpu.dma_semaphore, #tpu.memory_space<semaphore_mem>>)
    %dma_start3A_31 = arith.constant 1 : i32
    %dma_start3A_32 = arith.constant 128 : i32
    %dma_start3A_33 = arith.constant 0 : i32
    %dma_start3A_34 = tpu.memref_slice %arg6[%dma_start3A_32, %dma_start3A_33] : memref<512x128xf32, #tpu.memory_space<vmem>> -> memref<128x128xf32, #tpu.memory_space<vmem>>
    %dma_start3A_35 = arith.constant 0 : i32
    %dma_start3A_36 = tpu.memref_slice %arg5[%dma_start3A_31, %dma_start3A_35] : memref<4x128xi32, #tpu.memory_space<vmem>> -> memref<1x128xi32, #tpu.memory_space<vmem>>
    %dma_start3A_37 = tpu.memref_squeeze %dma_start3A_36 : memref<1x128xi32, #tpu.memory_space<vmem>> -> memref<128xi32, #tpu.memory_space<vmem>>
    %dma_start3A_38 = arith.constant 0 : i32
    %dma_start3A_39 = arith.constant 0 : i32
    %dma_start3A_40 = tpu.memref_slice %arg3[%dma_start3A_38, %dma_start3A_39] : memref<50000x128xf32, #tpu.memory_space<hbm>> -> memref<50000x128xf32, #tpu.memory_space<hbm>>
    tpu.enqueue_indirect_dma source(%dma_start3A_40 : memref<50000x128xf32, #tpu.memory_space<hbm>>) target(%dma_start3A_34 : memref<128x128xf32, #tpu.memory_space<vmem>>) offsets(%dma_start3A_37 : memref<128xi32, #tpu.memory_space<vmem>>) semaphore(%arg7 : memref<!tpu.dma_semaphore, #tpu.memory_space<semaphore_mem>>)
    %dma_start3A_41 = arith.constant 2 : i32
    %dma_start3A_42 = arith.constant 256 : i32
    %dma_start3A_43 = arith.constant 0 : i32
    %dma_start3A_44 = tpu.memref_slice %arg6[%dma_start3A_42, %dma_start3A_43] : memref<512x128xf32, #tpu.memory_space<vmem>> -> memref<128x128xf32, #tpu.memory_space<vmem>>
    %dma_start3A_45 = arith.constant 0 : i32
    %dma_start3A_46 = tpu.memref_slice %arg5[%dma_start3A_41, %dma_start3A_45] : memref<4x128xi32, #tpu.memory_space<vmem>> -> memref<1x128xi32, #tpu.memory_space<vmem>>
    %dma_start3A_47 = tpu.memref_squeeze %dma_start3A_46 : memref<1x128xi32, #tpu.memory_space<vmem>> -> memref<128xi32, #tpu.memory_space<vmem>>
    %dma_start3A_48 = arith.constant 0 : i32
    %dma_start3A_49 = arith.constant 0 : i32
    %dma_start3A_50 = tpu.memref_slice %arg3[%dma_start3A_48, %dma_start3A_49] : memref<50000x128xf32, #tpu.memory_space<hbm>> -> memref<50000x128xf32, #tpu.memory_space<hbm>>
    tpu.enqueue_indirect_dma source(%dma_start3A_50 : memref<50000x128xf32, #tpu.memory_space<hbm>>) target(%dma_start3A_44 : memref<128x128xf32, #tpu.memory_space<vmem>>) offsets(%dma_start3A_47 : memref<128xi32, #tpu.memory_space<vmem>>) semaphore(%arg7 : memref<!tpu.dma_semaphore, #tpu.memory_space<semaphore_mem>>)
    %dma_start3A_51 = arith.constant 3 : i32
    %dma_start3A_52 = arith.constant 384 : i32
    %dma_start3A_53 = arith.constant 0 : i32
    %dma_start3A_54 = tpu.memref_slice %arg6[%dma_start3A_52, %dma_start3A_53] : memref<512x128xf32, #tpu.memory_space<vmem>> -> memref<128x128xf32, #tpu.memory_space<vmem>>
    %dma_start3A_55 = arith.constant 0 : i32
    %dma_start3A_56 = tpu.memref_slice %arg5[%dma_start3A_51, %dma_start3A_55] : memref<4x128xi32, #tpu.memory_space<vmem>> -> memref<1x128xi32, #tpu.memory_space<vmem>>
    %dma_start3A_57 = tpu.memref_squeeze %dma_start3A_56 : memref<1x128xi32, #tpu.memory_space<vmem>> -> memref<128xi32, #tpu.memory_space<vmem>>
    %dma_start3A_58 = arith.constant 0 : i32
    %dma_start3A_59 = arith.constant 0 : i32
    %dma_start3A_60 = tpu.memref_slice %arg3[%dma_start3A_58, %dma_start3A_59] : memref<50000x128xf32, #tpu.memory_space<hbm>> -> memref<50000x128xf32, #tpu.memory_space<hbm>>
    tpu.enqueue_indirect_dma source(%dma_start3A_60 : memref<50000x128xf32, #tpu.memory_space<hbm>>) target(%dma_start3A_54 : memref<128x128xf32, #tpu.memory_space<vmem>>) offsets(%dma_start3A_57 : memref<128xi32, #tpu.memory_space<vmem>>) semaphore(%arg7 : memref<!tpu.dma_semaphore, #tpu.memory_space<semaphore_mem>>)
    %dma_wait3A = arith.constant 0 : i32
    %dma_wait3A_61 = arith.constant 0 : i32
    %dma_wait3A_62 = arith.constant 0 : i32
    %dma_wait3A_63 = tpu.memref_slice %arg6[%dma_wait3A_61, %dma_wait3A_62] : memref<512x128xf32, #tpu.memory_space<vmem>> -> memref<128x128xf32, #tpu.memory_space<vmem>>
    %dma_wait3A_64 = arith.constant 0 : i32
    %dma_wait3A_65 = tpu.memref_slice %arg5[%dma_wait3A, %dma_wait3A_64] : memref<4x128xi32, #tpu.memory_space<vmem>> -> memref<1x128xi32, #tpu.memory_space<vmem>>
    %dma_wait3A_66 = tpu.memref_squeeze %dma_wait3A_65 : memref<1x128xi32, #tpu.memory_space<vmem>> -> memref<128xi32, #tpu.memory_space<vmem>>
    %dma_wait3A_67 = arith.constant 0 : i32
    %dma_wait3A_68 = arith.constant 0 : i32
    %dma_wait3A_69 = tpu.memref_slice %arg3[%dma_wait3A_67, %dma_wait3A_68] : memref<50000x128xf32, #tpu.memory_space<hbm>> -> memref<50000x128xf32, #tpu.memory_space<hbm>>
    tpu.wait_indirect_dma semaphore(%arg7 : memref<!tpu.dma_semaphore, #tpu.memory_space<semaphore_mem>>) src(%dma_wait3A_69 : memref<50000x128xf32, #tpu.memory_space<hbm>>) dst(%dma_wait3A_63 : memref<128x128xf32, #tpu.memory_space<vmem>>)
    %add3A_70 = arith.constant 0 : i32
    %add3A_71 = arith.addi %mul3A_2, %add3A_70 : i32
    %dma_start3A_72 = arith.constant 0 : i32
    %dma_start3A_73 = arith.constant 0 : i32
    %dma_start3A_74 = tpu.memref_slice %arg6[%dma_start3A_72, %dma_start3A_73] : memref<512x128xf32, #tpu.memory_space<vmem>> -> memref<128x128xf32, #tpu.memory_space<vmem>>
    %dma_start3A_75 = arith.constant 0 : i32
    %dma_start3A_76 = tpu.memref_slice %arg4[%add3A_71, %dma_start3A_75] : memref<16384x128xf32, #tpu.memory_space<hbm>> -> memref<128x128xf32, #tpu.memory_space<hbm>>
    %dma_start3A_77 = arith.constant 0 : i32
    %dma_start3A_78 = tpu.memref_slice %arg4[%add3A_71, %dma_start3A_77] : memref<16384x128xf32, #tpu.memory_space<hbm>> -> memref<128x128xf32, #tpu.memory_space<hbm>>
    %dma_start3A_79 = arith.constant 0 : i32
    %dma_start3A_80 = arith.constant 0 : i32
    %dma_start3A_81 = tpu.memref_slice %arg6[%dma_start3A_79, %dma_start3A_80] : memref<512x128xf32, #tpu.memory_space<vmem>> -> memref<128x128xf32, #tpu.memory_space<vmem>>
    tpu.enqueue_dma source(%dma_start3A_81 : memref<128x128xf32, #tpu.memory_space<vmem>>) target(%dma_start3A_78 : memref<128x128xf32, #tpu.memory_space<hbm>>) target_semaphore(%arg8 : memref<!tpu.dma_semaphore, #tpu.memory_space<semaphore_mem>>)
    %dma_wait3A_82 = arith.constant 1 : i32
    %dma_wait3A_83 = arith.constant 128 : i32
    %dma_wait3A_84 = arith.constant 0 : i32
    %dma_wait3A_85 = tpu.memref_slice %arg6[%dma_wait3A_83, %dma_wait3A_84] : memref<512x128xf32, #tpu.memory_space<vmem>> -> memref<128x128xf32, #tpu.memory_space<vmem>>
    %dma_wait3A_86 = arith.constant 0 : i32
    %dma_wait3A_87 = tpu.memref_slice %arg5[%dma_wait3A_82, %dma_wait3A_86] : memref<4x128xi32, #tpu.memory_space<vmem>> -> memref<1x128xi32, #tpu.memory_space<vmem>>
    %dma_wait3A_88 = tpu.memref_squeeze %dma_wait3A_87 : memref<1x128xi32, #tpu.memory_space<vmem>> -> memref<128xi32, #tpu.memory_space<vmem>>
    %dma_wait3A_89 = arith.constant 0 : i32
    %dma_wait3A_90 = arith.constant 0 : i32
    %dma_wait3A_91 = tpu.memref_slice %arg3[%dma_wait3A_89, %dma_wait3A_90] : memref<50000x128xf32, #tpu.memory_space<hbm>> -> memref<50000x128xf32, #tpu.memory_space<hbm>>
    tpu.wait_indirect_dma semaphore(%arg7 : memref<!tpu.dma_semaphore, #tpu.memory_space<semaphore_mem>>) src(%dma_wait3A_91 : memref<50000x128xf32, #tpu.memory_space<hbm>>) dst(%dma_wait3A_85 : memref<128x128xf32, #tpu.memory_space<vmem>>)
    %add3A_92 = arith.constant 128 : i32
    %add3A_93 = arith.addi %mul3A_2, %add3A_92 : i32
    %dma_start3A_94 = arith.constant 128 : i32
    %dma_start3A_95 = arith.constant 0 : i32
    %dma_start3A_96 = tpu.memref_slice %arg6[%dma_start3A_94, %dma_start3A_95] : memref<512x128xf32, #tpu.memory_space<vmem>> -> memref<128x128xf32, #tpu.memory_space<vmem>>
    %dma_start3A_97 = arith.constant 0 : i32
    %dma_start3A_98 = tpu.memref_slice %arg4[%add3A_93, %dma_start3A_97] : memref<16384x128xf32, #tpu.memory_space<hbm>> -> memref<128x128xf32, #tpu.memory_space<hbm>>
    %dma_start3A_99 = arith.constant 0 : i32
    %dma_start3A_100 = tpu.memref_slice %arg4[%add3A_93, %dma_start3A_99] : memref<16384x128xf32, #tpu.memory_space<hbm>> -> memref<128x128xf32, #tpu.memory_space<hbm>>
    %dma_start3A_101 = arith.constant 128 : i32
    %dma_start3A_102 = arith.constant 0 : i32
    %dma_start3A_103 = tpu.memref_slice %arg6[%dma_start3A_101, %dma_start3A_102] : memref<512x128xf32, #tpu.memory_space<vmem>> -> memref<128x128xf32, #tpu.memory_space<vmem>>
    tpu.enqueue_dma source(%dma_start3A_103 : memref<128x128xf32, #tpu.memory_space<vmem>>) target(%dma_start3A_100 : memref<128x128xf32, #tpu.memory_space<hbm>>) target_semaphore(%arg8 : memref<!tpu.dma_semaphore, #tpu.memory_space<semaphore_mem>>)
    %dma_wait3A_104 = arith.constant 2 : i32
    %dma_wait3A_105 = arith.constant 256 : i32
    %dma_wait3A_106 = arith.constant 0 : i32
    %dma_wait3A_107 = tpu.memref_slice %arg6[%dma_wait3A_105, %dma_wait3A_106] : memref<512x128xf32, #tpu.memory_space<vmem>> -> memref<128x128xf32, #tpu.memory_space<vmem>>
    %dma_wait3A_108 = arith.constant 0 : i32
    %dma_wait3A_109 = tpu.memref_slice %arg5[%dma_wait3A_104, %dma_wait3A_108] : memref<4x128xi32, #tpu.memory_space<vmem>> -> memref<1x128xi32, #tpu.memory_space<vmem>>
    %dma_wait3A_110 = tpu.memref_squeeze %dma_wait3A_109 : memref<1x128xi32, #tpu.memory_space<vmem>> -> memref<128xi32, #tpu.memory_space<vmem>>
    %dma_wait3A_111 = arith.constant 0 : i32
    %dma_wait3A_112 = arith.constant 0 : i32
    %dma_wait3A_113 = tpu.memref_slice %arg3[%dma_wait3A_111, %dma_wait3A_112] : memref<50000x128xf32, #tpu.memory_space<hbm>> -> memref<50000x128xf32, #tpu.memory_space<hbm>>
    tpu.wait_indirect_dma semaphore(%arg7 : memref<!tpu.dma_semaphore, #tpu.memory_space<semaphore_mem>>) src(%dma_wait3A_113 : memref<50000x128xf32, #tpu.memory_space<hbm>>) dst(%dma_wait3A_107 : memref<128x128xf32, #tpu.memory_space<vmem>>)
    %add3A_114 = arith.constant 256 : i32
    %add3A_115 = arith.addi %mul3A_2, %add3A_114 : i32
    %dma_start3A_116 = arith.constant 256 : i32
    %dma_start3A_117 = arith.constant 0 : i32
    %dma_start3A_118 = tpu.memref_slice %arg6[%dma_start3A_116, %dma_start3A_117] : memref<512x128xf32, #tpu.memory_space<vmem>> -> memref<128x128xf32, #tpu.memory_space<vmem>>
    %dma_start3A_119 = arith.constant 0 : i32
    %dma_start3A_120 = tpu.memref_slice %arg4[%add3A_115, %dma_start3A_119] : memref<16384x128xf32, #tpu.memory_space<hbm>> -> memref<128x128xf32, #tpu.memory_space<hbm>>
    %dma_start3A_121 = arith.constant 0 : i32
    %dma_start3A_122 = tpu.memref_slice %arg4[%add3A_115, %dma_start3A_121] : memref<16384x128xf32, #tpu.memory_space<hbm>> -> memref<128x128xf32, #tpu.memory_space<hbm>>
    %dma_start3A_123 = arith.constant 256 : i32
    %dma_start3A_124 = arith.constant 0 : i32
    %dma_start3A_125 = tpu.memref_slice %arg6[%dma_start3A_123, %dma_start3A_124] : memref<512x128xf32, #tpu.memory_space<vmem>> -> memref<128x128xf32, #tpu.memory_space<vmem>>
    tpu.enqueue_dma source(%dma_start3A_125 : memref<128x128xf32, #tpu.memory_space<vmem>>) target(%dma_start3A_122 : memref<128x128xf32, #tpu.memory_space<hbm>>) target_semaphore(%arg8 : memref<!tpu.dma_semaphore, #tpu.memory_space<semaphore_mem>>)
    %dma_wait3A_126 = arith.constant 3 : i32
    %dma_wait3A_127 = arith.constant 384 : i32
    %dma_wait3A_128 = arith.constant 0 : i32
    %dma_wait3A_129 = tpu.memref_slice %arg6[%dma_wait3A_127, %dma_wait3A_128] : memref<512x128xf32, #tpu.memory_space<vmem>> -> memref<128x128xf32, #tpu.memory_space<vmem>>
    %dma_wait3A_130 = arith.constant 0 : i32
    %dma_wait3A_131 = tpu.memref_slice %arg5[%dma_wait3A_126, %dma_wait3A_130] : memref<4x128xi32, #tpu.memory_space<vmem>> -> memref<1x128xi32, #tpu.memory_space<vmem>>
    %dma_wait3A_132 = tpu.memref_squeeze %dma_wait3A_131 : memref<1x128xi32, #tpu.memory_space<vmem>> -> memref<128xi32, #tpu.memory_space<vmem>>
    %dma_wait3A_133 = arith.constant 0 : i32
    %dma_wait3A_134 = arith.constant 0 : i32
    %dma_wait3A_135 = tpu.memref_slice %arg3[%dma_wait3A_133, %dma_wait3A_134] : memref<50000x128xf32, #tpu.memory_space<hbm>> -> memref<50000x128xf32, #tpu.memory_space<hbm>>
    tpu.wait_indirect_dma semaphore(%arg7 : memref<!tpu.dma_semaphore, #tpu.memory_space<semaphore_mem>>) src(%dma_wait3A_135 : memref<50000x128xf32, #tpu.memory_space<hbm>>) dst(%dma_wait3A_129 : memref<128x128xf32, #tpu.memory_space<vmem>>)
    %add3A_136 = arith.constant 384 : i32
    %add3A_137 = arith.addi %mul3A_2, %add3A_136 : i32
    %dma_start3A_138 = arith.constant 384 : i32
    %dma_start3A_139 = arith.constant 0 : i32
    %dma_start3A_140 = tpu.memref_slice %arg6[%dma_start3A_138, %dma_start3A_139] : memref<512x128xf32, #tpu.memory_space<vmem>> -> memref<128x128xf32, #tpu.memory_space<vmem>>
    %dma_start3A_141 = arith.constant 0 : i32
    %dma_start3A_142 = tpu.memref_slice %arg4[%add3A_137, %dma_start3A_141] : memref<16384x128xf32, #tpu.memory_space<hbm>> -> memref<128x128xf32, #tpu.memory_space<hbm>>
    %dma_start3A_143 = arith.constant 0 : i32
    %dma_start3A_144 = tpu.memref_slice %arg4[%add3A_137, %dma_start3A_143] : memref<16384x128xf32, #tpu.memory_space<hbm>> -> memref<128x128xf32, #tpu.memory_space<hbm>>
    %dma_start3A_145 = arith.constant 384 : i32
    %dma_start3A_146 = arith.constant 0 : i32
    %dma_start3A_147 = tpu.memref_slice %arg6[%dma_start3A_145, %dma_start3A_146] : memref<512x128xf32, #tpu.memory_space<vmem>> -> memref<128x128xf32, #tpu.memory_space<vmem>>
    tpu.enqueue_dma source(%dma_start3A_147 : memref<128x128xf32, #tpu.memory_space<vmem>>) target(%dma_start3A_144 : memref<128x128xf32, #tpu.memory_space<hbm>>) target_semaphore(%arg8 : memref<!tpu.dma_semaphore, #tpu.memory_space<semaphore_mem>>)
    %dma_wait3A_148 = arith.constant 0 : i32
    %dma_wait3A_149 = arith.constant 0 : i32
    %dma_wait3A_150 = tpu.memref_slice %arg6[%dma_wait3A_148, %dma_wait3A_149] : memref<512x128xf32, #tpu.memory_space<vmem>> -> memref<128x128xf32, #tpu.memory_space<vmem>>
    %dma_wait3A_151 = arith.constant 0 : i32
    %dma_wait3A_152 = tpu.memref_slice %arg4[%add3A_71, %dma_wait3A_151] : memref<16384x128xf32, #tpu.memory_space<hbm>> -> memref<128x128xf32, #tpu.memory_space<hbm>>
    %dma_wait3A_153 = arith.constant 0 : i32
    %dma_wait3A_154 = tpu.memref_slice %arg4[%add3A_71, %dma_wait3A_153] : memref<16384x128xf32, #tpu.memory_space<hbm>> -> memref<128x128xf32, #tpu.memory_space<hbm>>
    %dma_wait3A_155 = arith.constant 0 : i32
    %dma_wait3A_156 = arith.constant 0 : i32
    %dma_wait3A_157 = tpu.memref_slice %arg6[%dma_wait3A_155, %dma_wait3A_156] : memref<512x128xf32, #tpu.memory_space<vmem>> -> memref<128x128xf32, #tpu.memory_space<vmem>>
    tpu.wait_dma2 semaphore(%arg8 : memref<!tpu.dma_semaphore, #tpu.memory_space<semaphore_mem>>) src(%dma_wait3A_157 : memref<128x128xf32, #tpu.memory_space<vmem>>) dst(%dma_wait3A_154 : memref<128x128xf32, #tpu.memory_space<hbm>>)
    %dma_wait3A_158 = arith.constant 128 : i32
    %dma_wait3A_159 = arith.constant 0 : i32
    %dma_wait3A_160 = tpu.memref_slice %arg6[%dma_wait3A_158, %dma_wait3A_159] : memref<512x128xf32, #tpu.memory_space<vmem>> -> memref<128x128xf32, #tpu.memory_space<vmem>>
    %dma_wait3A_161 = arith.constant 0 : i32
    %dma_wait3A_162 = tpu.memref_slice %arg4[%add3A_93, %dma_wait3A_161] : memref<16384x128xf32, #tpu.memory_space<hbm>> -> memref<128x128xf32, #tpu.memory_space<hbm>>
    %dma_wait3A_163 = arith.constant 0 : i32
    %dma_wait3A_164 = tpu.memref_slice %arg4[%add3A_93, %dma_wait3A_163] : memref<16384x128xf32, #tpu.memory_space<hbm>> -> memref<128x128xf32, #tpu.memory_space<hbm>>
    %dma_wait3A_165 = arith.constant 128 : i32
    %dma_wait3A_166 = arith.constant 0 : i32
    %dma_wait3A_167 = tpu.memref_slice %arg6[%dma_wait3A_165, %dma_wait3A_166] : memref<512x128xf32, #tpu.memory_space<vmem>> -> memref<128x128xf32, #tpu.memory_space<vmem>>
    tpu.wait_dma2 semaphore(%arg8 : memref<!tpu.dma_semaphore, #tpu.memory_space<semaphore_mem>>) src(%dma_wait3A_167 : memref<128x128xf32, #tpu.memory_space<vmem>>) dst(%dma_wait3A_164 : memref<128x128xf32, #tpu.memory_space<hbm>>)
    %dma_wait3A_168 = arith.constant 256 : i32
    %dma_wait3A_169 = arith.constant 0 : i32
    %dma_wait3A_170 = tpu.memref_slice %arg6[%dma_wait3A_168, %dma_wait3A_169] : memref<512x128xf32, #tpu.memory_space<vmem>> -> memref<128x128xf32, #tpu.memory_space<vmem>>
    %dma_wait3A_171 = arith.constant 0 : i32
    %dma_wait3A_172 = tpu.memref_slice %arg4[%add3A_115, %dma_wait3A_171] : memref<16384x128xf32, #tpu.memory_space<hbm>> -> memref<128x128xf32, #tpu.memory_space<hbm>>
    %dma_wait3A_173 = arith.constant 0 : i32
    %dma_wait3A_174 = tpu.memref_slice %arg4[%add3A_115, %dma_wait3A_173] : memref<16384x128xf32, #tpu.memory_space<hbm>> -> memref<128x128xf32, #tpu.memory_space<hbm>>
    %dma_wait3A_175 = arith.constant 256 : i32
    %dma_wait3A_176 = arith.constant 0 : i32
    %dma_wait3A_177 = tpu.memref_slice %arg6[%dma_wait3A_175, %dma_wait3A_176] : memref<512x128xf32, #tpu.memory_space<vmem>> -> memref<128x128xf32, #tpu.memory_space<vmem>>
    tpu.wait_dma2 semaphore(%arg8 : memref<!tpu.dma_semaphore, #tpu.memory_space<semaphore_mem>>) src(%dma_wait3A_177 : memref<128x128xf32, #tpu.memory_space<vmem>>) dst(%dma_wait3A_174 : memref<128x128xf32, #tpu.memory_space<hbm>>)
    %dma_wait3A_178 = arith.constant 384 : i32
    %dma_wait3A_179 = arith.constant 0 : i32
    %dma_wait3A_180 = tpu.memref_slice %arg6[%dma_wait3A_178, %dma_wait3A_179] : memref<512x128xf32, #tpu.memory_space<vmem>> -> memref<128x128xf32, #tpu.memory_space<vmem>>
    %dma_wait3A_181 = arith.constant 0 : i32
    %dma_wait3A_182 = tpu.memref_slice %arg4[%add3A_137, %dma_wait3A_181] : memref<16384x128xf32, #tpu.memory_space<hbm>> -> memref<128x128xf32, #tpu.memory_space<hbm>>
    %dma_wait3A_183 = arith.constant 0 : i32
    %dma_wait3A_184 = tpu.memref_slice %arg4[%add3A_137, %dma_wait3A_183] : memref<16384x128xf32, #tpu.memory_space<hbm>> -> memref<128x128xf32, #tpu.memory_space<hbm>>
    %dma_wait3A_185 = arith.constant 384 : i32
    %dma_wait3A_186 = arith.constant 0 : i32
    %dma_wait3A_187 = tpu.memref_slice %arg6[%dma_wait3A_185, %dma_wait3A_186] : memref<512x128xf32, #tpu.memory_space<vmem>> -> memref<128x128xf32, #tpu.memory_space<vmem>>
    tpu.wait_dma2 semaphore(%arg8 : memref<!tpu.dma_semaphore, #tpu.memory_space<semaphore_mem>>) src(%dma_wait3A_187 : memref<128x128xf32, #tpu.memory_space<vmem>>) dst(%dma_wait3A_184 : memref<128x128xf32, #tpu.memory_space<hbm>>)
    return
  }
}

module attributes {stable_mosaic.version = 14 : i64} {
  func.func @_score_body(%arg0: i32, %arg1: memref<1024x128xf32, #tpu.memory_space<vmem>>, %arg2: memref<1024x128xf32, #tpu.memory_space<vmem>>, %arg3: memref<1024x128xf32, #tpu.memory_space<vmem>>, %arg4: memref<1x1x1024xi32, #tpu.memory_space<vmem>>, %arg5: memref<1024x1xf32, #tpu.memory_space<vmem>>, %arg6: memref<1024x1xf32, #tpu.memory_space<vmem>>) attributes {dimension_semantics = [#tpu.dimension_semantics<arbitrary>], iteration_bounds = array<i64: 16>, scalar_prefetch = 0 : i64, scratch_operands = 0 : i64, tpu.core_type = #tpu.core_type<tc>, window_params = [{transform_indices = @transform_0, window_bounds = array<i64: 1024, 128>}, {transform_indices = @transform_1, window_bounds = array<i64: 1024, 128>}, {transform_indices = @transform_2, window_bounds = array<i64: 1024, 128>}, {transform_indices = @transform_3, window_bounds = array<i64: 1, 1, 1024>}, {pipeline_mode = #tpu.pipeline_mode<synchronous>, transform_indices = @transform_4, window_bounds = array<i64: 1024, 1>}, {transform_indices = @transform_5, window_bounds = array<i64: 1024, 1>}]} {
    %get3A = arith.constant 0 : index
    %get3A_0 = arith.constant 0 : index
    %get3A_1 = vector.load %arg1[%get3A, %get3A_0] : memref<1024x128xf32, #tpu.memory_space<vmem>>, vector<1024x128xf32>
    %get3A_2 = arith.constant 0 : index
    %get3A_3 = arith.constant 0 : index
    %get3A_4 = vector.load %arg2[%get3A_2, %get3A_3] : memref<1024x128xf32, #tpu.memory_space<vmem>>, vector<1024x128xf32>
    %get3A_5 = arith.constant 0 : index
    %get3A_6 = arith.constant 0 : index
    %get3A_7 = vector.load %arg3[%get3A_5, %get3A_6] : memref<1024x128xf32, #tpu.memory_space<vmem>>, vector<1024x128xf32>
    %get3A_8 = arith.constant 0 : index
    %get3A_9 = arith.constant 0 : index
    %get3A_10 = arith.constant 0 : index
    %get3A_11 = vector.load %arg4[%get3A_8, %get3A_9, %get3A_10] : memref<1x1x1024xi32, #tpu.memory_space<vmem>>, vector<1x1x1024xi32>
    %reshape3A = vector.shape_cast %get3A_11 : vector<1x1x1024xi32> to vector<1024x1xi32>
    %ne3A = arith.constant 0 : i32
    %ne3A_12 = vector.broadcast %ne3A : i32 to vector<1024x1xi32>
    %ne3A_13 = arith.cmpi ne, %reshape3A, %ne3A_12 : vector<1024x1xi32>
    %iota3A = tpu.iota {dimensions = array<i32: 1>} : vector<1024x128xi32>
    %ge3A = arith.constant 64 : i32
    %ge3A_14 = vector.broadcast %ge3A : i32 to vector<1024x128xi32>
    %ge3A_15 = arith.cmpi sge, %iota3A, %ge3A_14 : vector<1024x128xi32>
    %xor3A = vector.broadcast %ne3A_13 : vector<1024x1xi1> to vector<1024x128xi1>
    %xor3A_16 = arith.xori %xor3A, %ge3A_15 : vector<1024x128xi1>
    %roll3A = arith.constant 64 : i32
    %roll3A_17 = tpu.dynamic_rotate %get3A_7 by %roll3A dim 1 : vector<1024x128xf32>, i32 -> vector<1024x128xf32>
    %select_n3A = arith.select %xor3A_16, %roll3A_17, %get3A_7 : vector<1024x128xi1>, vector<1024x128xf32>
    %mul3A = arith.constant 14.3615665 : f32
    %mul3A_18 = vector.broadcast %mul3A : f32 to vector<1024x128xf32>
    %mul3A_19 = arith.mulf %select_n3A, %mul3A_18 : vector<1024x128xf32>
    %mul3A_20 = arith.constant 0.636619746 : f32
    %mul3A_21 = vector.broadcast %mul3A_20 : f32 to vector<1024x128xf32>
    %mul3A_22 = arith.mulf %mul3A_19, %mul3A_21 : vector<1024x128xf32>
    %add3A = arith.constant 0x4B400000 : f32
    %add3A_23 = vector.broadcast %add3A : f32 to vector<1024x128xf32>
    %add3A_24 = arith.addf %mul3A_22, %add3A_23 : vector<1024x128xf32>
    %bitcast_convert_type3A = tpu.bitcast %add3A_24 : vector<1024x128xf32> -> vector<1024x128xi32>
    %sub3A = arith.constant 0x4B400000 : f32
    %sub3A_25 = vector.broadcast %sub3A : f32 to vector<1024x128xf32>
    %sub3A_26 = arith.subf %add3A_24, %sub3A_25 : vector<1024x128xf32>
    %mul3A_27 = arith.constant 1.57079637 : f32
    %mul3A_28 = vector.broadcast %mul3A_27 : f32 to vector<1024x128xf32>
    %mul3A_29 = arith.mulf %sub3A_26, %mul3A_28 : vector<1024x128xf32>
    %sub3A_30 = arith.subf %mul3A_19, %mul3A_29 : vector<1024x128xf32>
    %mul3A_31 = arith.constant -4.37113883E-8 : f32
    %mul3A_32 = vector.broadcast %mul3A_31 : f32 to vector<1024x128xf32>
    %mul3A_33 = arith.mulf %sub3A_26, %mul3A_32 : vector<1024x128xf32>
    %sub3A_34 = arith.subf %sub3A_30, %mul3A_33 : vector<1024x128xf32>
    %mul3A_35 = arith.mulf %sub3A_34, %sub3A_34 : vector<1024x128xf32>
    %mul3A_36 = arith.constant -1.98412701E-4 : f32
    %mul3A_37 = vector.broadcast %mul3A_36 : f32 to vector<1024x128xf32>
    %mul3A_38 = arith.mulf %mul3A_35, %mul3A_37 : vector<1024x128xf32>
    %add3A_39 = arith.constant 0.00833333377 : f32
    %add3A_40 = vector.broadcast %add3A_39 : f32 to vector<1024x128xf32>
    %add3A_41 = arith.addf %add3A_40, %mul3A_38 : vector<1024x128xf32>
    %mul3A_42 = arith.mulf %mul3A_35, %add3A_41 : vector<1024x128xf32>
    %add3A_43 = arith.constant -0.166666672 : f32
    %add3A_44 = vector.broadcast %add3A_43 : f32 to vector<1024x128xf32>
    %add3A_45 = arith.addf %add3A_44, %mul3A_42 : vector<1024x128xf32>
    %mul3A_46 = arith.mulf %mul3A_35, %add3A_45 : vector<1024x128xf32>
    %add3A_47 = arith.constant 1.000000e+00 : f32
    %add3A_48 = vector.broadcast %add3A_47 : f32 to vector<1024x128xf32>
    %add3A_49 = arith.addf %add3A_48, %mul3A_46 : vector<1024x128xf32>
    %mul3A_50 = arith.mulf %sub3A_34, %add3A_49 : vector<1024x128xf32>
    %mul3A_51 = arith.constant 2.48015876E-5 : f32
    %mul3A_52 = vector.broadcast %mul3A_51 : f32 to vector<1024x128xf32>
    %mul3A_53 = arith.mulf %mul3A_35, %mul3A_52 : vector<1024x128xf32>
    %add3A_54 = arith.constant -0.00138888892 : f32
    %add3A_55 = vector.broadcast %add3A_54 : f32 to vector<1024x128xf32>
    %add3A_56 = arith.addf %add3A_55, %mul3A_53 : vector<1024x128xf32>
    %mul3A_57 = arith.mulf %mul3A_35, %add3A_56 : vector<1024x128xf32>
    %add3A_58 = arith.constant 0.0416666679 : f32
    %add3A_59 = vector.broadcast %add3A_58 : f32 to vector<1024x128xf32>
    %add3A_60 = arith.addf %add3A_59, %mul3A_57 : vector<1024x128xf32>
    %mul3A_61 = arith.mulf %mul3A_35, %add3A_60 : vector<1024x128xf32>
    %add3A_62 = arith.constant -5.000000e-01 : f32
    %add3A_63 = vector.broadcast %add3A_62 : f32 to vector<1024x128xf32>
    %add3A_64 = arith.addf %add3A_63, %mul3A_61 : vector<1024x128xf32>
    %mul3A_65 = arith.mulf %mul3A_35, %add3A_64 : vector<1024x128xf32>
    %add3A_66 = arith.constant 1.000000e+00 : f32
    %add3A_67 = vector.broadcast %add3A_66 : f32 to vector<1024x128xf32>
    %add3A_68 = arith.addf %add3A_67, %mul3A_65 : vector<1024x128xf32>
    %and3A = arith.constant 1 : i32
    %and3A_69 = vector.broadcast %and3A : i32 to vector<1024x128xi32>
    %and3A_70 = arith.andi %bitcast_convert_type3A, %and3A_69 : vector<1024x128xi32>
    %eq3A = arith.constant 1 : i32
    %eq3A_71 = vector.broadcast %eq3A : i32 to vector<1024x128xi32>
    %eq3A_72 = arith.cmpi eq, %and3A_70, %eq3A_71 : vector<1024x128xi32>
    %and3A_73 = arith.constant 2 : i32
    %and3A_74 = vector.broadcast %and3A_73 : i32 to vector<1024x128xi32>
    %and3A_75 = arith.andi %bitcast_convert_type3A, %and3A_74 : vector<1024x128xi32>
    %eq3A_76 = arith.constant 2 : i32
    %eq3A_77 = vector.broadcast %eq3A_76 : i32 to vector<1024x128xi32>
    %eq3A_78 = arith.cmpi eq, %and3A_75, %eq3A_77 : vector<1024x128xi32>
    %jit3A = arith.constant -1.000000e+00 : f32
    %jit3A_79 = arith.constant 1.000000e+00 : f32
    %broadcast_in_dim3A = vector.broadcast %jit3A : f32 to vector<1024x128xf32>
    %broadcast_in_dim3A_80 = vector.broadcast %jit3A_79 : f32 to vector<1024x128xf32>
    %select_n3A_81 = arith.select %eq3A_78, %broadcast_in_dim3A, %broadcast_in_dim3A_80 : vector<1024x128xi1>, vector<1024x128xf32>
    %add3A_82 = arith.constant 1 : i32
    %add3A_83 = vector.broadcast %add3A_82 : i32 to vector<1024x128xi32>
    %add3A_84 = arith.addi %bitcast_convert_type3A, %add3A_83 : vector<1024x128xi32>
    %and3A_85 = arith.constant 2 : i32
    %and3A_86 = vector.broadcast %and3A_85 : i32 to vector<1024x128xi32>
    %and3A_87 = arith.andi %add3A_84, %and3A_86 : vector<1024x128xi32>
    %eq3A_88 = arith.constant 2 : i32
    %eq3A_89 = vector.broadcast %eq3A_88 : i32 to vector<1024x128xi32>
    %eq3A_90 = arith.cmpi eq, %and3A_87, %eq3A_89 : vector<1024x128xi32>
    %jit3A_91 = arith.constant -1.000000e+00 : f32
    %jit3A_92 = arith.constant 1.000000e+00 : f32
    %broadcast_in_dim3A_93 = vector.broadcast %jit3A_91 : f32 to vector<1024x128xf32>
    %broadcast_in_dim3A_94 = vector.broadcast %jit3A_92 : f32 to vector<1024x128xf32>
    %select_n3A_95 = arith.select %eq3A_90, %broadcast_in_dim3A_93, %broadcast_in_dim3A_94 : vector<1024x128xi1>, vector<1024x128xf32>
    %select_n3A_96 = arith.select %eq3A_72, %add3A_68, %mul3A_50 : vector<1024x128xi1>, vector<1024x128xf32>
    %mul3A_97 = arith.mulf %select_n3A_81, %select_n3A_96 : vector<1024x128xf32>
    %select_n3A_98 = arith.select %eq3A_72, %mul3A_50, %add3A_68 : vector<1024x128xi1>, vector<1024x128xf32>
    %mul3A_99 = arith.mulf %select_n3A_95, %select_n3A_98 : vector<1024x128xf32>
    %neg3A = arith.constant 0.000000e+00 : f32
    %neg3A_100 = vector.broadcast %neg3A : f32 to vector<1024x128xf32>
    %neg3A_101 = arith.subf %neg3A_100, %mul3A_97 : vector<1024x128xf32>
    %select_n3A_102 = arith.select %ge3A_15, %mul3A_97, %neg3A_101 : vector<1024x128xi1>, vector<1024x128xf32>
    %roll3A_103 = arith.constant 64 : i32
    %roll3A_104 = tpu.dynamic_rotate %get3A_1 by %roll3A_103 dim 1 : vector<1024x128xf32>, i32 -> vector<1024x128xf32>
    %mul3A_105 = arith.mulf %get3A_1, %mul3A_99 : vector<1024x128xf32>
    %mul3A_106 = arith.mulf %roll3A_104, %select_n3A_102 : vector<1024x128xf32>
    %add3A_107 = arith.addf %mul3A_105, %mul3A_106 : vector<1024x128xf32>
    %sub3A_108 = arith.subf %add3A_107, %get3A_4 : vector<1024x128xf32>
    %mul3A_109 = arith.mulf %sub3A_108, %sub3A_108 : vector<1024x128xf32>
    %roll3A_110 = arith.constant 64 : i32
    %roll3A_111 = tpu.dynamic_rotate %mul3A_109 by %roll3A_110 dim 1 : vector<1024x128xf32>, i32 -> vector<1024x128xf32>
    %add3A_112 = arith.addf %mul3A_109, %roll3A_111 : vector<1024x128xf32>
    %sqrt3A = math.sqrt %add3A_112 : vector<1024x128xf32>
    %reduce_sum3A = arith.constant dense<0.000000e+00> : vector<1024xf32>
    %reduce_sum3A_113 = vector.multi_reduction <add>, %sqrt3A, %reduce_sum3A [1] : vector<1024x128xf32> to vector<1024xf32>
    %broadcast_in_dim3A_114 = vector.shape_cast %reduce_sum3A_113 : vector<1024xf32> to vector<1024x1xf32>
    %mul3A_115 = arith.constant 5.000000e-01 : f32
    %mul3A_116 = vector.broadcast %mul3A_115 : f32 to vector<1024x1xf32>
    %mul3A_117 = arith.mulf %mul3A_116, %broadcast_in_dim3A_114 : vector<1024x1xf32>
    %sub3A_118 = arith.constant 1.200000e+01 : f32
    %sub3A_119 = vector.broadcast %sub3A_118 : f32 to vector<1024x1xf32>
    %sub3A_120 = arith.subf %sub3A_119, %mul3A_117 : vector<1024x1xf32>
    %eq3A_121 = arith.constant 0 : i32
    %eq3A_122 = arith.cmpi eq, %arg0, %eq3A_121 : i32
    %convert_element_type3A = arith.extui %eq3A_122 : i1 to i32
    %cond3A = arith.constant 0 : i32
    %cond3A_123 = arith.cmpi ne, %convert_element_type3A, %cond3A : i32
    scf.if %cond3A_123 {
      %swap3A = arith.constant 0 : index
      %swap3A_128 = arith.constant 0 : index
      %swap3A_129 = vector.load %arg5[%swap3A, %swap3A_128] : memref<1024x1xf32, #tpu.memory_space<vmem>>, vector<1024x1xf32>
      tpu.vector_store %arg5[%swap3A, %swap3A_128], %sub3A_120 {strides = array<i32>} : memref<1024x1xf32, #tpu.memory_space<vmem>>, vector<1024x1xf32>,
    } else {
    }
    %gt3A = arith.constant 0 : i32
    %gt3A_124 = arith.cmpi sgt, %arg0, %gt3A : i32
    %convert_element_type3A_125 = arith.extui %gt3A_124 : i1 to i32
    %cond3A_126 = arith.constant 0 : i32
    %cond3A_127 = arith.cmpi ne, %convert_element_type3A_125, %cond3A_126 : i32
    scf.if %cond3A_127 {
      %swap3A = arith.constant 0 : index
      %swap3A_128 = arith.constant 0 : index
      %swap3A_129 = vector.load %arg6[%swap3A, %swap3A_128] : memref<1024x1xf32, #tpu.memory_space<vmem>>, vector<1024x1xf32>
      tpu.vector_store %arg6[%swap3A, %swap3A_128], %sub3A_120 {strides = array<i32>} : memref<1024x1xf32, #tpu.memory_space<vmem>>, vector<1024x1xf32>,
    } else {
    }
    return
  }
  func.func @transform_0(%arg0: i32) -> (i32, i32) {
    %c0_i32 = arith.constant 0 : i32
    %c0_i32_0 = arith.constant 0 : i32
    return %arg0, %c0_i32 : i32, i32
  }
  func.func @transform_1(%arg0: i32) -> (i32, i32) {
    %c0_i32 = arith.constant 0 : i32
    %c0_i32_0 = arith.constant 0 : i32
    return %arg0, %c0_i32 : i32, i32
  }
  func.func @transform_2(%arg0: i32) -> (i32, i32) {
    %c0_i32 = arith.constant 0 : i32
    %c0_i32_0 = arith.constant 0 : i32
    return %arg0, %c0_i32 : i32, i32
  }
  func.func @transform_3(%arg0: i32) -> (i32, i32, i32) {
    %c0_i32 = arith.constant 0 : i32
    %c0_i32_0 = arith.constant 0 : i32
    %c0_i32_1 = arith.constant 0 : i32
    return %c0_i32, %c0_i32_0, %arg0 : i32, i32, i32
  }
  func.func @transform_4(%arg0: i32) -> (i32, i32) {
    %c0_i32 = arith.constant 0 : i32
    %c0_i32_0 = arith.constant 0 : i32
    %c0_i32_1 = arith.constant 0 : i32
    return %c0_i32, %c0_i32_0 : i32, i32
  }
  func.func @transform_5(%arg0: i32) -> (i32, i32) {
    %sub3A = arith.constant 1 : i32
    %sub3A_0 = arith.subi %arg0, %sub3A : i32
    %max3A = arith.constant 0 : i32
    %max3A_1 = arith.maxsi %sub3A_0, %max3A : i32
    %c0_i32 = arith.constant 0 : i32
    %c0_i32_2 = arith.constant 0 : i32
    return %max3A_1, %c0_i32 : i32, i32
  }
}

</mosaic_0001>

<sc_bundles>
// kernel: kernel.5.cloned.1.call-start
scs
__scs_entry_jumppad:
0x0: {  	(pc) =	sbr.rel $0x88, $3  }
0x1: {  	(tag) =	ssettag $0x0;
	lr =	simm.s32 $0x1  }
0x2: {  	[smem:$0x3F9E] =	sst lr;
	_ =	strace $0xD0000000  }
0x3: {  	_ = 	snop  }
0x4: {  	_ = 	snop  }
0x5: {  	_ = 	snop  }
0x6: {  	_ = 	snop  }
0x7: {  	_ = 	snop  }
__scs_overlays_trampoline_lowered:
0x8: {  	[smem:$0x3FAD] =	sst s0  }
0x9: {  	[smem:$0x3FAE] =	sst s1  }
0xa: {  	[smem:$0x3FAF] =	sst s2  }
0xb: {  	[smem:$0x3FB0] =	sst s3  }
0xc: {  	[smem:$0x3FB1] =	sst s4  }
0xd: {  	[smem:$0x3FB2] =	sst s5  }
0xe: {  	[smem:$0x3FB3] =	sst s6  }
0xf: {  	[smem:$0x3FB4] =	sst s7  }
0x10: {  	[smem:$0x3FB5] =	sst s8  }
0x11: {  	[smem:$0x3FB6] =	sst s9;
	s0 =	simm.s32 @!p0 $0x0  }
0x12: {  	s1 =	sld [smem:$0x3F9C];
	s0 =	simm.s32 @p0 $0x1  }
0x13: {  	[smem:$0x3FB7] =	sst s0;
	s0 =	simm.s32 @!p1 $0x0  }
0x14: {  	s2 =	sld [smem:$0x3F9B];
	s0 =	simm.s32 @p1 $0x1  }
0x15: {  	[smem:$0x3FB8] =	sst s0;
	s0 =	simm.s32 @!p2 $0x0  }
0x16: {  	s3 =	sld [smem:$0x3FDB];
	s0 =	simm.s32 @p2 $0x1  }
0x17: {  	s4 =	simm.s32 $0x1BF5;
	[smem:$0x3FBA] =	sst s0  }
0x18: {  	s0 =	sld [smem:$0x3F9D];
	_ =	swait.ge [sflag:s4], $0x0  }
0x19: {  	s7 =	sld [smem:$0x3F9E]  }
0x1a: {  	s8 =	sadd.s32 $0xFFFFE003, lr  }
0x1b: {  	s9 =	sadd.s32 $0xFFFFFEF7, lr;
	s5 =	simm.s32 $0xFFFFFFFF;
	p2 =	slt.u32 s8, $0xFFFFF086  }
0x1c: {  	p1 =	slt.u32 s9, $0xF7A;
	s5 =	simm.s32 @!p2 $0x0  }
0x1d: {  	s5 =	simm.s32 @p1 $0x1;
	p0 =	seq.s32 s7, s2  }
0x1e: {  	s7 =	smul.u32 @!p0 $0xF7A, s2;
	p2 =	seq.s32 @!p0 s5, $0x0  }
0x1f: {  	s9 =	smul.u32 $0xF7A, s1;
	s8 =	simm.s32 @!p0 $0x1BF5;
	p2 =	por !p2, p0  }
0x20: {  	[sflag:s8] =	ssyncset.s32 @!p0 $0xFFFFF086;
	s6 =	sadd.s32 @!p0 s3, s7;
	s7 =	simm.s32 @!p0 $0x108  }
0x21: {  	s3 =	sadd.s32 s3, s9;
	s6 =	sadd.s32 @!p0 $0x88, s6;
	s7 =	simm.s32 @p2 $0x1082  }
0x22: {  	[simem:s7], [sflag:s8] =	dma.local @!p0 [hbm:s6], $0xF7A  }
0x23: {  	s9 =	sor.u32 $0xD0000000, s2;
	s6 =	simm.s32 $0x108;
	_ =	swait.ge @!p0 [sflag:s8], $0x0  }
0x24: {  	s3 =	sadd.s32 $0x88, s3;
	s6 =	simm.s32 @!p1 $0x1082;
	[sflag:s4] =	ssyncset.s32 $0xFFFFF086  }
0x25: {  	[simem:s6], [sflag:s4] =	dma.local [hbm:s3], $0xF7A  }
0x26: {  	[smem:$0x3F9E] =	sst s1;
	(tag) =	ssettag s2;
	_ =	strace s9  }
0x27: {  	s1 =	sld [smem:$0x3FAE]  }
0x28: {  	s2 =	sld [smem:$0x3FAF]  }
0x29: {  	s4 =	sld [smem:$0x3FB1]  }
0x2a: {  	p0 =	seq.s32 s5, $0x0;
	s5 =	sld [smem:$0x3FB2]  }
0x2b: {  	s6 =	sld [smem:$0x3FB3]  }
0x2c: {  	s7 =	sld [smem:$0x3FB4]  }
0x2d: {  	s3 =	simm.s32 $0x108;
	s8 =	sld [smem:$0x3FB5]  }
0x2e: {  	s3 =	simm.s32 @!p0 $0x1082;
	s9 =	sld [smem:$0x3FB6]  }
0x2f: {  	lr =	sadd.s32 s0, s3;
	s0 =	sld [smem:$0x3FAD]  }
0x30: {  	s3 =	sld [smem:$0x3FB0]  }
0x31: {  	[smem:$0x3FB9] =	sst s10  }
0x32: {  	s10 =	sld [smem:$0x3FB7];
	_ =	sdelay $0x3  }
0x33: {  	p0 =	seq.s32 s10, $0x1;
	s10 =	sld [smem:$0x3FB9];
	_ =	sdelay $0x3  }
0x34: {  	[smem:$0x3FB9] =	sst s10  }
0x35: {  	s10 =	sld [smem:$0x3FB8];
	_ =	sdelay $0x3  }
0x36: {  	p1 =	seq.s32 s10, $0x1;
	s10 =	sld [smem:$0x3FB9];
	_ =	sdelay $0x3  }
0x37: {  	[smem:$0x3FB9] =	sst s10  }
0x38: {  	s10 =	sld [smem:$0x3FBA]  }
0x39: {  	_ = 	snop;
	(pc) =	sbr.ind lr, $3  }
0x3a: {  	_ = 	snop  }
0x3b: {  	_ = 	snop  }
0x3c: {  	p2 =	seq.s32 s10, $0x1;
	s10 =	sld [smem:$0x3FB9]  }
0x3d: {  	_ =	shalt  }
0x3e: {  	_ =	shalt  }
0x3f: {  	_ =	shalt  }
0x40: {  	_ =	shalt  }
0x41: {  	_ =	shalt  }
0x42: {  	_ =	shalt  }
0x43: {  	_ =	shalt  }
0x44: {  	_ =	shalt  }
0x45: {  	_ =	shalt  }
0x46: {  	_ =	shalt  }
0x47: {  	_ =	shalt  }
0x48: {  	_ =	shalt  }
0x49: {  	_ =	shalt  }
0x4a: {  	_ =	shalt  }
0x4b: {  	_ =	shalt  }
0x4c: {  	_ =	shalt  }
0x4d: {  	_ =	shalt  }
0x4e: {  	_ =	shalt  }
0x4f: {  	_ =	shalt  }
0x50: {  	_ =	shalt  }
0x51: {  	_ =	shalt  }
0x52: {  	_ =	shalt  }
0x53: {  	_ =	shalt  }
0x54: {  	_ =	shalt  }
0x55: {  	_ =	shalt  }
0x56: {  	_ =	shalt  }
0x57: {  	_ =	shalt  }
0x58: {  	_ =	shalt  }
0x59: {  	_ =	shalt  }
0x5a: {  	_ =	shalt  }
0x5b: {  	_ =	shalt  }
0x5c: {  	_ =	shalt  }
0x5d: {  	_ =	shalt  }
0x5e: {  	_ =	shalt  }
0x5f: {  	_ =	shalt  }
0x60: {  	_ =	shalt  }
0x61: {  	_ =	shalt  }
0x62: {  	_ =	shalt  }
0x63: {  	_ =	shalt  }
0x64: {  	_ =	shalt  }
0x65: {  	_ =	shalt  }
0x66: {  	_ =	shalt  }
0x67: {  	_ =	shalt  }
0x68: {  	_ =	shalt  }
0x69: {  	_ =	shalt  }
0x6a: {  	_ =	shalt  }
0x6b: {  	_ =	shalt  }
0x6c: {  	_ =	shalt  }
0x6d: {  	_ =	shalt  }
0x6e: {  	_ =	shalt  }
0x6f: {  	_ =	shalt  }
0x70: {  	_ =	shalt  }
0x71: {  	_ =	shalt  }
0x72: {  	_ =	shalt  }
0x73: {  	_ =	shalt  }
0x74: {  	_ =	shalt  }
0x75: {  	_ =	shalt  }
0x76: {  	_ =	shalt  }
0x77: {  	_ =	shalt  }
0x78: {  	_ =	shalt  }
0x79: {  	_ =	shalt  }
0x7a: {  	_ =	shalt  }
0x7b: {  	_ =	shalt  }
0x7c: {  	_ =	shalt  }
0x7d: {  	_ =	shalt  }
0x7e: {  	_ =	shalt  }
0x7f: {  	_ =	shalt  }
0x80: {  	_ =	shalt  }
0x81: {  	_ =	shalt  }
0x82: {  	_ =	shalt  }
0x83: {  	_ =	shalt  }
0x84: {  	_ =	shalt  }
0x85: {  	_ =	shalt  }
0x86: {  	_ =	shalt  }
0x87: {  	_ =	shalt  }
.Lfunc_end0:
.L_simem_size_0:
called_computation_lowered:
.L_overlay_start_0:
0x88: {  	s2 =	sld [smem:$0x3FD9]  }
0x89: {  	s3 =	sld [smem:$0x3FFE];
	_ =	sdelay $0x1  }
0x8a: {  	s1 =	srdreg.scid  }
0x8b: {  	s0 =	sand.u32 $0x1, s1  }
0x8c: {  	s17 =	sshll.u32 s0, $0xA;
	s2 =	sadd.s32 s3, s2  }
0x8d: {  	s2 =	sadd.s32 s2, s17  }
0x8e: {  	[smem:$0x3FC5] =	sst s2  }
0x8f: {  	_ = 	snop  }
0x90: {  	s2 =	sld [smem:$0x3FC8];
	(tm) =	ssettm $0x1  }
0x91: {  	s18 =	sld [smem:$0x3FFB];
	_ =	sdelay $0x3  }
0x92: {  	_ =	strace s18  }
0x93: {  	s3 =	sld [smem:$0x3FFC];
	_ =	sdelay $0x3  }
0x94: {  	_ =	strace s3  }
0x95: {  	s3 =	sld [smem:$0x3FFD];
	_ =	sdelay $0x3  }
0x96: {  	_ =	strace s3  }
0x97: {  	_ =	strace $0x8FFFFFFF  }
0x98: {  	s19 =	sld [smem:$0x3FDB];
	_ =	sdelay $0x1  }
0x99: {  	s4 =	simm.s32 $_scs_section_size  }
0x9a: {  	s5 =	simm.s32 $_size__tile_overlayer_lowered;
	s6 =	simm.s32 $_tile_overlayer_lowered  }
0x9b: {  	s22 =	simm.s32 $0x1BFF;
	s21 =	sshll.u32 s6, $0x1;
	s3 =	sadd.s32 s4, s19  }
0x9c: {  	s7 =	simm.s32 $0x0;
	s20 =	sshll.u32 s5, $0x1;
	s5 =	sadd.s32 s21, s3  }
0x9d: {  	[timem:s7], [sflag:s22] =	dma.local [hbm:s5], s20  }
0x9e: {  	_ =	swait.ge [sflag:s22], s20  }
0x9f: {  	s4 =	ssub.s32 $0x0, s20;
	[sflag:s22] =	ssyncset.done $0x0  }
0xa0: {  	[sflag:s22] =	ssyncadd.s32 s4;
	_ =	sdelay $0x1  }
0xa1: {  	s23 =	simm.s32 $0x1B8B  }
0xa2: {  	_ =	swait.ge [sflag:s23], $0x1  }
0xa3: {  	[sflag:s23] =	ssyncset.done $0x0  }
0xa4: {  	s25 =	simm.s32 $0x1B8E;
	s24 =	sld [smem:$0x3FFE];
	[sflag:s23] =	ssyncadd.s32 $0xFFFFFFFF  }
0xa5: {  	s26 =	simm.s32 $execute0_lowered;
	[smem:$0x3FD2] =	sst s25  }
0xa6: {  	s5 =	sshll.u32 s26, $0x1;
	_ =	strace $0x80000046;
	[dreg:$0x1] =	wrdreg $0xFFFFFFFF  }
0xa7: {  	s28 =	simm.s32 $_size_execute0_lowered;
	s3 =	sadd.s32 s3, s5;
	[dreg:$0x0] =	wrdreg $0x0  }
0xa8: {  	s5 =	sshll.u32 s28, $0x1;
	[dreg:$0x2] =	wrdreg s3  }
0xa9: {  	[dreg:$0x3] =	wrdreg s5  }
0xaa: {  	[dreg:$0x4] =	wrdreg $0xC0  }
0xab: {  	_ =	task [dreg:s7], $0x5FFFF  }
0xac: {  	[dreg:$0x1] =	wrdreg $0xFFFFFFFF  }
0xad: {  	[dreg:$0x0] =	wrdreg $0x60  }
0xae: {  	[dreg:$0x2] =	wrdreg s24  }
0xaf: {  	[dreg:$0x3] =	wrdreg s2  }
0xb0: {  	[dreg:$0x4] =	wrdreg $0x9  }
0xb1: {  	_ =	task.clear_ibuf [dreg:s7], $0x5FFFF;
	_ =	strace $0x90000046  }
0xb2: {  	s29 =	simm.s32 $0x9;
	_ =	strace $0x80000048  }
0xb3: {  	_ =	swait.ge [sflag:s29], $0x1  }
0xb4: {  	[sflag:s29] =	ssyncadd.s32 $0xFFFFFFFF  }
0xb5: {  	_ =	strace $0x90000048  }
0xb6: {  	_ =	sfence  }
0xb7: {  	s30 =	sld [smem:$0x0];
	_ =	sdelay $0x2  }
0xb8: {  	s31 =	sshll.u32 s1, $0xD;
	s1 =	sshrl.u32 s1, $0x2  }
0xb9: {  	s3 =	sand.u32 $0x4000, s31;
	s1 =	sadd.s32 s1, s30  }
0xba: {  	s0 =	sor.u32 s3, s0;
	s1 =	sshll.u32 s1, $0x11  }
0xbb: {  	s0 =	sor.u32 s1, s0  }
0xbc: {  	s0 =	sadd.s32 $0x8F2B, s0  }
0xbd: {  	[sflag:s0] =	ssyncadd.remote.s32 $0x1  }
0xbe: {  	_ =	sfence.sel $0xFFFF  }
0xbf: {  	[dreg:$0x0] =	wrdreg $0xFFFFFFFF;
	(pc) =	sbr.abs _section_cstart, $3  }
0xc0: {  	[dreg:$0x1] =	wrdreg $0xFFFFFFFF  }
0xc1: {  	_ =	task.clear_ibuf [dreg:s7], $0x2FFFF;
	_ =	strace $0x9FFFFFFF  }
0xc2: {  	(tm) =	ssettm $0x7FFFFFFF  }
0xc3: {  	_ =	shalt  }
tec
execute0_lowered:
.L_overlay_start_1:
0x0: {  	(tag) =	ssettag $0x1  }
0x1: {  	s1 =	srdreg.scid  }
0x2: {  	s0 =	stileid.u32;
	s26 =	sand.u32 $0x1, s1  }
0x3: {  	s25 =	rddreg [dreg:$0x0];
	s31 =	sshll.u32 s0, $0xA;
	s3 =	sshll.u32 s26, $0x9  }
0x4: {  	s2 =	rddreg [dreg:$0x1];
	s28 =	sor.u32 s3, s31  }
0x5: {  	s1 =	rddreg [dreg:$0x2];
	s3 =	simm.s32 $0x0;
	s4 =	sshrl.u32 s28, $0x3  }
0x6: {  	[smem:$0x7FF] =	sst s3;
	s18 =	sadd.s32 s4, s25  }
0x7: {  	_ =	strace $0x80000047;
	s4 =	simm.s32 $0x2;
	s5 =	sadd.s32 $0x1E00, s18  }
0x8: {  	[tilespmem:s3], [sflag:$0x2] =	stream.linear.gather [hbm4b:s5+s3], $0x80, $0x38;
	[tilespmem:$0x10400] =	vst v63  }
0x9: {  	_ =	swait.ge [sflag:s4], $0x80  }
0xa: {  	[sflag:s4] =	ssyncset.done $0x0  }
0xb: {  	s7 =	simm.s32 $0x200;
	s6 =	sadd.s32 $0x2600, s18;
	[sflag:s4] =	ssyncadd.s32 $0xFFFFFF80  }
0xc: {  	[tilespmem:s7], [sflag:$0x2] =	stream.linear.gather [hbm4b:s6+s3], $0x80, $0x38;
	[tilespmem:$0x10400] =	vst v63  }
0xd: {  	_ =	swait.ge [sflag:s4], $0x80  }
0xe: {  	[sflag:s4] =	ssyncset.done $0x0  }
0xf: {  	s9 =	simm.s32 $0x80;
	s8 =	sadd.s32 $0x1E10, s18;
	[sflag:s4] =	ssyncadd.s32 $0xFFFFFF80  }
0x10: {  	[tilespmem:s9], [sflag:$0x2] =	stream.linear.gather [hbm4b:s8+s3], $0x80, $0x38;
	[tilespmem:$0x10400] =	vst v63  }
0x11: {  	_ =	swait.ge [sflag:s4], $0x80  }
0x12: {  	[sflag:s4] =	ssyncset.done $0x0  }
0x13: {  	s11 =	simm.s32 $0x280;
	s10 =	sadd.s32 $0x2610, s18;
	[sflag:s4] =	ssyncadd.s32 $0xFFFFFF80  }
0x14: {  	[tilespmem:s11], [sflag:$0x2] =	stream.linear.gather [hbm4b:s10+s3], $0x80, $0x38;
	[tilespmem:$0x10400] =	vst v63  }
0x15: {  	_ =	swait.ge [sflag:s4], $0x80  }
0x16: {  	[sflag:s4] =	ssyncset.done $0x0  }
0x17: {  	s13 =	simm.s32 $0x100;
	s12 =	sadd.s32 $0x1E20, s18;
	[sflag:s4] =	ssyncadd.s32 $0xFFFFFF80  }
0x18: {  	[tilespmem:s13], [sflag:$0x2] =	stream.linear.gather [hbm4b:s12+s3], $0x80, $0x38;
	[tilespmem:$0x10400] =	vst v63  }
0x19: {  	_ =	swait.ge [sflag:s4], $0x80  }
0x1a: {  	[sflag:s4] =	ssyncset.done $0x0  }
0x1b: {  	s15 =	simm.s32 $0x300;
	s14 =	sadd.s32 $0x2620, s18;
	[sflag:s4] =	ssyncadd.s32 $0xFFFFFF80  }
0x1c: {  	[tilespmem:s15], [sflag:$0x2] =	stream.linear.gather [hbm4b:s14+s3], $0x80, $0x38;
	[tilespmem:$0x10400] =	vst v63  }
0x1d: {  	_ =	swait.ge [sflag:s4], $0x80  }
0x1e: {  	[sflag:s4] =	ssyncset.done $0x0  }
0x1f: {  	s17 =	simm.s32 $0x180;
	s16 =	sadd.s32 $0x1E30, s18;
	[sflag:s4] =	ssyncadd.s32 $0xFFFFFF80  }
0x20: {  	[tilespmem:s17], [sflag:$0x2] =	stream.linear.gather [hbm4b:s16+s3], $0x80, $0x38;
	[tilespmem:$0x10400] =	vst v63  }
0x21: {  	_ =	swait.ge [sflag:s4], $0x80  }
0x22: {  	[sflag:s4] =	ssyncset.done $0x0  }
0x23: {  	s19 =	simm.s32 $0x380;
	s18 =	sadd.s32 $0x2630, s18;
	[sflag:s4] =	ssyncadd.s32 $0xFFFFFF80  }
0x24: {  	[tilespmem:s19], [sflag:$0x2] =	stream.linear.gather [hbm4b:s18+s3], $0x80, $0x38;
	[tilespmem:$0x10400] =	vst v63  }
0x25: {  	_ =	swait.ge [sflag:s4], $0x80  }
0x26: {  	[sflag:s4] =	ssyncset.done $0x0  }
0x27: {  	s20 =	simm.s32 $0x400;
	[sflag:s4] =	ssyncadd.s32 $0xFFFFFF80  }
0x28: {  	[tilespmem:s20], [sflag:$0x1] =	stream.indirect.gather [hbm4b:s2+s9], $0x80, s3, s9, $0xb8;
	[tilespmem:$0x10400] =	vst v63  }
0x29: {  	s21 =	simm.s32 $0x4400  }
0x2a: {  	[tilespmem:s21], [sflag:$0x1] =	stream.indirect.gather [hbm4b:s2+s9], $0x80, s9, s9, $0xb8;
	[tilespmem:$0x10400] =	vst v63  }
0x2b: {  	s22 =	simm.s32 $0x8400  }
0x2c: {  	[tilespmem:s22], [sflag:$0x1] =	stream.indirect.gather [hbm4b:s2+s9], $0x80, s13, s9, $0xb8;
	[tilespmem:$0x10400] =	vst v63  }
0x2d: {  	s23 =	simm.s32 $0xC400;
	s24 =	simm.s32 $0x1  }
0x2e: {  	[tilespmem:s23], [sflag:$0x1] =	stream.indirect.gather [hbm4b:s2+s9], $0x80, s17, s9, $0xb8;
	[tilespmem:$0x10400] =	vst v63  }
0x2f: {  	_ =	swait.ge [sflag:s24], $0x4000  }
0x30: {  	[sflag:s24] =	ssyncset.done $0x0  }
0x31: {  	[sflag:s24] =	ssyncadd.s32 $0xFFFFC000  }
0x32: {  	_ =	swait.ge [sflag:s24], $0x4000  }
0x33: {  	[sflag:s24] =	ssyncset.done $0x0  }
0x34: {  	[sflag:s24] =	ssyncadd.s32 $0xFFFFC000  }
0x35: {  	_ =	swait.ge [sflag:s24], $0x4000  }
0x36: {  	[sflag:s24] =	ssyncset.done $0x0  }
0x37: {  	[sflag:s24] =	ssyncadd.s32 $0xFFFFC000  }
0x38: {  	s28 =	sshll.u32 s28, $0x4;
	_ =	swait.ge [sflag:s24], $0x4000  }
0x39: {  	s28 =	sadd.s32 s28, s25;
	[sflag:s24] =	ssyncset.done $0x0  }
0x3a: {  	s25 =	sadd.s32 $0x3600, s28;
	[sflag:s24] =	ssyncadd.s32 $0xFFFFC000  }
0x3b: {  	[hbm4b:s25+s3] =	stream.linear.scatter [tilespmem:s20], [sflag:$0x2], $0x10000, $0x38;
	[tilespmem:$0x10400] =	vst v63  }
0x3c: {  	_ =	swait.ge [sflag:s4], $0x10000  }
0x3d: {  	[sflag:s4] =	ssyncset.done $0x0  }
0x3e: {  	[sflag:s4] =	ssyncadd.s32 $0xFFFF0000  }
0x3f: {  	[tilespmem:s20], [sflag:$0x1] =	stream.indirect.gather [hbm4b:s2+s9], $0x80, s7, s9, $0xb8;
	[tilespmem:$0x10400] =	vst v63  }
0x40: {  	_ = 	snop  }
0x41: {  	[tilespmem:s21], [sflag:$0x1] =	stream.indirect.gather [hbm4b:s2+s9], $0x80, s11, s9, $0xb8;
	[tilespmem:$0x10400] =	vst v63  }
0x42: {  	_ = 	snop  }
0x43: {  	[tilespmem:s22], [sflag:$0x1] =	stream.indirect.gather [hbm4b:s2+s9], $0x80, s15, s9, $0xb8;
	[tilespmem:$0x10400] =	vst v63  }
0x44: {  	_ = 	snop  }
0x45: {  	[tilespmem:s23], [sflag:$0x1] =	stream.indirect.gather [hbm4b:s2+s9], $0x80, s19, s9, $0xb8;
	[tilespmem:$0x10400] =	vst v63  }
0x46: {  	_ =	swait.ge [sflag:s24], $0x4000  }
0x47: {  	[sflag:s24] =	ssyncset.done $0x0  }
0x48: {  	[sflag:s24] =	ssyncadd.s32 $0xFFFFC000  }
0x49: {  	_ =	swait.ge [sflag:s24], $0x4000  }
0x4a: {  	[sflag:s24] =	ssyncset.done $0x0  }
0x4b: {  	s26 =	ssub.s32 $0x2, s26;
	[sflag:s24] =	ssyncadd.s32 $0xFFFFC000  }
0x4c: {  	s29 =	sshrl.u32 s26, $0x1;
	_ =	swait.ge [sflag:s24], $0x4000  }
0x4d: {  	s29 =	ssub.s32 s26, s29;
	[sflag:s24] =	ssyncset.done $0x0  }
0x4e: {  	s26 =	sadd.s32 $0x43600, s28;
	s28 =	smax.u32 s29, $0x1;
	[sflag:s24] =	ssyncadd.s32 $0xFFFFC000  }
0x4f: {  	p0 =	sne.s32 s28, $0x1;
	_ =	swait.ge [sflag:s24], $0x4000  }
.Ltmp0:
0x50: {  	[sflag:s24] =	ssyncset.done $0x0;
	(pc) =	sbr.rel @!p0 .LBB2_2-.Ltmp0, $4  }
0x51: {  	[sflag:s24] =	ssyncadd.s32 $0xFFFFC000  }
0x52: {  	[hbm4b:s26+s3] =	stream.linear.scatter [tilespmem:s20], [sflag:$0x2], $0x10000, $0x38;
	[tilespmem:$0x10400] =	vst v63  }
0x53: {  	_ =	swait.ge [sflag:s4], $0x10000  }
0x54: {  	s28 =	sadd.s32 $0xFFFFFFFF, s28;
	[sflag:s4] =	ssyncset.done $0x0  }
.LBB2_1:
0x55: {  	p0 =	sne.s32 s28, $0x1;
	s28 =	sadd.s32 $0xFFFFFFFF, s28;
	[sflag:s4] =	ssyncadd.s32 $0xFFFF0000  }
0x56: {  	[tilespmem:s3], [sflag:$0x2] =	stream.linear.gather [hbm4b:s5+s3], $0x80, $0x38;
	[tilespmem:$0x10400] =	vst v63  }
0x57: {  	_ =	swait.ge [sflag:s4], $0x80  }
0x58: {  	[sflag:s4] =	ssyncset.done $0x0  }
0x59: {  	[sflag:s4] =	ssyncadd.s32 $0xFFFFFF80  }
0x5a: {  	[tilespmem:s7], [sflag:$0x2] =	stream.linear.gather [hbm4b:s6+s3], $0x80, $0x38;
	[tilespmem:$0x10400] =	vst v63  }
0x5b: {  	_ =	swait.ge [sflag:s4], $0x80  }
0x5c: {  	[sflag:s4] =	ssyncset.done $0x0  }
0x5d: {  	[sflag:s4] =	ssyncadd.s32 $0xFFFFFF80  }
0x5e: {  	[tilespmem:s9], [sflag:$0x2] =	stream.linear.gather [hbm4b:s8+s3], $0x80, $0x38;
	[tilespmem:$0x10400] =	vst v63  }
0x5f: {  	_ =	swait.ge [sflag:s4], $0x80  }
0x60: {  	[sflag:s4] =	ssyncset.done $0x0  }
0x61: {  	[sflag:s4] =	ssyncadd.s32 $0xFFFFFF80  }
0x62: {  	[tilespmem:s11], [sflag:$0x2] =	stream.linear.gather [hbm4b:s10+s3], $0x80, $0x38;
	[tilespmem:$0x10400] =	vst v63  }
0x63: {  	_ =	swait.ge [sflag:s4], $0x80  }
0x64: {  	[sflag:s4] =	ssyncset.done $0x0  }
0x65: {  	[sflag:s4] =	ssyncadd.s32 $0xFFFFFF80  }
0x66: {  	[tilespmem:s13], [sflag:$0x2] =	stream.linear.gather [hbm4b:s12+s3], $0x80, $0x38;
	[tilespmem:$0x10400] =	vst v63  }
0x67: {  	_ =	swait.ge [sflag:s4], $0x80  }
0x68: {  	[sflag:s4] =	ssyncset.done $0x0  }
0x69: {  	[sflag:s4] =	ssyncadd.s32 $0xFFFFFF80  }
0x6a: {  	[tilespmem:s15], [sflag:$0x2] =	stream.linear.gather [hbm4b:s14+s3], $0x80, $0x38;
	[tilespmem:$0x10400] =	vst v63  }
0x6b: {  	_ =	swait.ge [sflag:s4], $0x80  }
0x6c: {  	[sflag:s4] =	ssyncset.done $0x0  }
0x6d: {  	[sflag:s4] =	ssyncadd.s32 $0xFFFFFF80  }
0x6e: {  	[tilespmem:s17], [sflag:$0x2] =	stream.linear.gather [hbm4b:s16+s3], $0x80, $0x38;
	[tilespmem:$0x10400] =	vst v63  }
0x6f: {  	_ =	swait.ge [sflag:s4], $0x80  }
0x70: {  	[sflag:s4] =	ssyncset.done $0x0  }
0x71: {  	[sflag:s4] =	ssyncadd.s32 $0xFFFFFF80  }
0x72: {  	[tilespmem:s19], [sflag:$0x2] =	stream.linear.gather [hbm4b:s18+s3], $0x80, $0x38;
	[tilespmem:$0x10400] =	vst v63  }
0x73: {  	_ =	swait.ge [sflag:s4], $0x80  }
0x74: {  	[sflag:s4] =	ssyncset.done $0x0  }
0x75: {  	[sflag:s4] =	ssyncadd.s32 $0xFFFFFF80  }
0x76: {  	[tilespmem:s20], [sflag:$0x1] =	stream.indirect.gather [hbm4b:s2+s9], $0x80, s3, s9, $0xb8;
	[tilespmem:$0x10400] =	vst v63  }
0x77: {  	_ = 	snop  }
0x78: {  	[tilespmem:s21], [sflag:$0x1] =	stream.indirect.gather [hbm4b:s2+s9], $0x80, s9, s9, $0xb8;
	[tilespmem:$0x10400] =	vst v63  }
0x79: {  	_ = 	snop  }
0x7a: {  	[tilespmem:s22], [sflag:$0x1] =	stream.indirect.gather [hbm4b:s2+s9], $0x80, s13, s9, $0xb8;
	[tilespmem:$0x10400] =	vst v63  }
0x7b: {  	_ = 	snop  }
0x7c: {  	[tilespmem:s23], [sflag:$0x1] =	stream.indirect.gather [hbm4b:s2+s9], $0x80, s17, s9, $0xb8;
	[tilespmem:$0x10400] =	vst v63  }
0x7d: {  	_ =	swait.ge [sflag:s24], $0x4000  }
0x7e: {  	[sflag:s24] =	ssyncset.done $0x0  }
0x7f: {  	[sflag:s24] =	ssyncadd.s32 $0xFFFFC000  }
0x80: {  	_ =	swait.ge [sflag:s24], $0x4000  }
0x81: {  	[sflag:s24] =	ssyncset.done $0x0  }
0x82: {  	[sflag:s24] =	ssyncadd.s32 $0xFFFFC000  }
0x83: {  	_ =	swait.ge [sflag:s24], $0x4000  }
0x84: {  	[sflag:s24] =	ssyncset.done $0x0  }
0x85: {  	[sflag:s24] =	ssyncadd.s32 $0xFFFFC000  }
0x86: {  	_ =	swait.ge [sflag:s24], $0x4000  }
0x87: {  	[sflag:s24] =	ssyncset.done $0x0  }
0x88: {  	[sflag:s24] =	ssyncadd.s32 $0xFFFFC000  }
0x89: {  	[hbm4b:s25+s3] =	stream.linear.scatter [tilespmem:s20], [sflag:$0x2], $0x10000, $0x38;
	[tilespmem:$0x10400] =	vst v63  }
0x8a: {  	_ =	swait.ge [sflag:s4], $0x10000  }
0x8b: {  	[sflag:s4] =	ssyncset.done $0x0  }
0x8c: {  	[sflag:s4] =	ssyncadd.s32 $0xFFFF0000  }
0x8d: {  	[tilespmem:s20], [sflag:$0x1] =	stream.indirect.gather [hbm4b:s2+s9], $0x80, s7, s9, $0xb8;
	[tilespmem:$0x10400] =	vst v63  }
0x8e: {  	_ = 	snop  }
0x8f: {  	[tilespmem:s21], [sflag:$0x1] =	stream.indirect.gather [hbm4b:s2+s9], $0x80, s11, s9, $0xb8;
	[tilespmem:$0x10400] =	vst v63  }
0x90: {  	_ = 	snop  }
0x91: {  	[tilespmem:s22], [sflag:$0x1] =	stream.indirect.gather [hbm4b:s2+s9], $0x80, s15, s9, $0xb8;
	[tilespmem:$0x10400] =	vst v63  }
0x92: {  	_ = 	snop  }
0x93: {  	[tilespmem:s23], [sflag:$0x1] =	stream.indirect.gather [hbm4b:s2+s9], $0x80, s19, s9, $0xb8;
	[tilespmem:$0x10400] =	vst v63  }
0x94: {  	_ =	swait.ge [sflag:s24], $0x4000  }
0x95: {  	[sflag:s24] =	ssyncset.done $0x0  }
0x96: {  	[sflag:s24] =	ssyncadd.s32 $0xFFFFC000  }
0x97: {  	_ =	swait.ge [sflag:s24], $0x4000  }
0x98: {  	[sflag:s24] =	ssyncset.done $0x0  }
0x99: {  	[sflag:s24] =	ssyncadd.s32 $0xFFFFC000  }
0x9a: {  	_ =	swait.ge [sflag:s24], $0x4000  }
0x9b: {  	[sflag:s24] =	ssyncset.done $0x0  }
0x9c: {  	[sflag:s24] =	ssyncadd.s32 $0xFFFFC000  }
0x9d: {  	_ =	swait.ge [sflag:s24], $0x4000  }
.Ltmp1:
0x9e: {  	[sflag:s24] =	ssyncset.done $0x0;
	(pc) =	sbr.rel @p0 .LBB2_1-.Ltmp1, $4  }
0x9f: {  	[sflag:s24] =	ssyncadd.s32 $0xFFFFC000  }
0xa0: {  	[hbm4b:s26+s3] =	stream.linear.scatter [tilespmem:s20], [sflag:$0x2], $0x10000, $0x38;
	[tilespmem:$0x10400] =	vst v63  }
0xa1: {  	_ =	swait.ge [sflag:s4], $0x10000  }
0xa2: {  	[sflag:s4] =	ssyncset.done $0x0  }
.LBB2_2:
0xa3: {  	[sflag:s4] =	ssyncadd.s32 $0xFFFF0000  }
0xa4: {  	_ =	sfence.sel $0x180000  }
0xa5: {  	[bflag:$0x0] =	sbarrier.arrive $0xFFFF  }
0xa6: {  	p0 =	sne.s32 s0, $0x0;
	_ =	strace $0x90000047  }
0xa7: {  	s0 =	sadd.s32 @!p0 $0x100000, s1;
	[bflag:$0x2] =	sbarrier.arrive $0xFFFF  }
0xa8: {  	[sflag:s0] =	ssyncadd.tile.s32 @!p0 $0x1;
	_ =	shalt  }
.Lfunc_end2:
_tile_overlayer_lowered:
.L_overlay_start_2:
0xa9: {  	(tag) =	ssettag $0x2  }
0xaa: {  	s0 =	rddreg [dreg:$0x0];
	s2 =	stileid.u32  }
0xab: {  	s1 =	rddreg [dreg:$0x1];
	p0 =	sne.s32 s2, $0x0  }
0xac: {  	s3 =	rddreg [dreg:$0x2];
	[bflag:$0x3] =	sbarrier.arrive $0xFFFF;
	s2 =	simm.s32 @!p0 $0x1C02  }
0xad: {  	[timem:s3], [sflag:s2] =	dma.local @!p0 [hbm:s0], s1  }
0xae: {  	s0 =	simm.s32 @!p0 $0x2  }
0xaf: {  	_ =	swait.ge @!p0 [sflag:s0], s1  }
0xb0: {  	s1 =	ssub.s32 @!p0 $0x0, s1;
	[sflag:s0] =	ssyncset.done @!p0 $0x0  }
0xb1: {  	[sflag:s0] =	ssyncadd.s32 @!p0 s1  }
0xb2: {  	[bflag:$0x3] =	sbarrier.arrive $0xFFFF  }
0xb3: {  	_ =	shalt  }

// kernel: kernel.8.cloned.1.call-start
scs
__scs_entry_jumppad:
0x0: {  	(pc) =	sbr.rel $0x88, $3  }
0x1: {  	(tag) =	ssettag $0x0;
	lr =	simm.s32 $0x1  }
0x2: {  	[smem:$0x3F9E] =	sst lr;
	_ =	strace $0xD0000000  }
0x3: {  	_ = 	snop  }
0x4: {  	_ = 	snop  }
0x5: {  	_ = 	snop  }
0x6: {  	_ = 	snop  }
0x7: {  	_ = 	snop  }
__scs_overlays_trampoline_lowered:
0x8: {  	[smem:$0x3FAD] =	sst s0  }
0x9: {  	[smem:$0x3FAE] =	sst s1  }
0xa: {  	[smem:$0x3FAF] =	sst s2  }
0xb: {  	[smem:$0x3FB0] =	sst s3  }
0xc: {  	[smem:$0x3FB1] =	sst s4  }
0xd: {  	[smem:$0x3FB2] =	sst s5  }
0xe: {  	[smem:$0x3FB3] =	sst s6  }
0xf: {  	[smem:$0x3FB4] =	sst s7  }
0x10: {  	[smem:$0x3FB5] =	sst s8  }
0x11: {  	[smem:$0x3FB6] =	sst s9;
	s0 =	simm.s32 @!p0 $0x0  }
0x12: {  	s1 =	sld [smem:$0x3F9C];
	s0 =	simm.s32 @p0 $0x1  }
0x13: {  	[smem:$0x3FB7] =	sst s0;
	s0 =	simm.s32 @!p1 $0x0  }
0x14: {  	s2 =	sld [smem:$0x3F9B];
	s0 =	simm.s32 @p1 $0x1  }
0x15: {  	[smem:$0x3FB8] =	sst s0;
	s0 =	simm.s32 @!p2 $0x0  }
0x16: {  	s3 =	sld [smem:$0x3FDB];
	s0 =	simm.s32 @p2 $0x1  }
0x17: {  	s4 =	simm.s32 $0x1BF5;
	[smem:$0x3FBA] =	sst s0  }
0x18: {  	s0 =	sld [smem:$0x3F9D];
	_ =	swait.ge [sflag:s4], $0x0  }
0x19: {  	s7 =	sld [smem:$0x3F9E]  }
0x1a: {  	s8 =	sadd.s32 $0xFFFFE003, lr  }
0x1b: {  	s9 =	sadd.s32 $0xFFFFFEF7, lr;
	s5 =	simm.s32 $0xFFFFFFFF;
	p2 =	slt.u32 s8, $0xFFFFF086  }
0x1c: {  	p1 =	slt.u32 s9, $0xF7A;
	s5 =	simm.s32 @!p2 $0x0  }
0x1d: {  	s5 =	simm.s32 @p1 $0x1;
	p0 =	seq.s32 s7, s2  }
0x1e: {  	s7 =	smul.u32 @!p0 $0xF7A, s2;
	p2 =	seq.s32 @!p0 s5, $0x0  }
0x1f: {  	s9 =	smul.u32 $0xF7A, s1;
	s8 =	simm.s32 @!p0 $0x1BF5;
	p2 =	por !p2, p0  }
0x20: {  	[sflag:s8] =	ssyncset.s32 @!p0 $0xFFFFF086;
	s6 =	sadd.s32 @!p0 s3, s7;
	s7 =	simm.s32 @!p0 $0x108  }
0x21: {  	s3 =	sadd.s32 s3, s9;
	s6 =	sadd.s32 @!p0 $0x88, s6;
	s7 =	simm.s32 @p2 $0x1082  }
0x22: {  	[simem:s7], [sflag:s8] =	dma.local @!p0 [hbm:s6], $0xF7A  }
0x23: {  	s9 =	sor.u32 $0xD0000000, s2;
	s6 =	simm.s32 $0x108;
	_ =	swait.ge @!p0 [sflag:s8], $0x0  }
0x24: {  	s3 =	sadd.s32 $0x88, s3;
	s6 =	simm.s32 @!p1 $0x1082;
	[sflag:s4] =	ssyncset.s32 $0xFFFFF086  }
0x25: {  	[simem:s6], [sflag:s4] =	dma.local [hbm:s3], $0xF7A  }
0x26: {  	[smem:$0x3F9E] =	sst s1;
	(tag) =	ssettag s2;
	_ =	strace s9  }
0x27: {  	s1 =	sld [smem:$0x3FAE]  }
0x28: {  	s2 =	sld [smem:$0x3FAF]  }
0x29: {  	s4 =	sld [smem:$0x3FB1]  }
0x2a: {  	p0 =	seq.s32 s5, $0x0;
	s5 =	sld [smem:$0x3FB2]  }
0x2b: {  	s6 =	sld [smem:$0x3FB3]  }
0x2c: {  	s7 =	sld [smem:$0x3FB4]  }
0x2d: {  	s3 =	simm.s32 $0x108;
	s8 =	sld [smem:$0x3FB5]  }
0x2e: {  	s3 =	simm.s32 @!p0 $0x1082;
	s9 =	sld [smem:$0x3FB6]  }
0x2f: {  	lr =	sadd.s32 s0, s3;
	s0 =	sld [smem:$0x3FAD]  }
0x30: {  	s3 =	sld [smem:$0x3FB0]  }
0x31: {  	[smem:$0x3FB9] =	sst s10  }
0x32: {  	s10 =	sld [smem:$0x3FB7];
	_ =	sdelay $0x3  }
0x33: {  	p0 =	seq.s32 s10, $0x1;
	s10 =	sld [smem:$0x3FB9];
	_ =	sdelay $0x3  }
0x34: {  	[smem:$0x3FB9] =	sst s10  }
0x35: {  	s10 =	sld [smem:$0x3FB8];
	_ =	sdelay $0x3  }
0x36: {  	p1 =	seq.s32 s10, $0x1;
	s10 =	sld [smem:$0x3FB9];
	_ =	sdelay $0x3  }
0x37: {  	[smem:$0x3FB9] =	sst s10  }
0x38: {  	s10 =	sld [smem:$0x3FBA]  }
0x39: {  	_ = 	snop;
	(pc) =	sbr.ind lr, $3  }
0x3a: {  	_ = 	snop  }
0x3b: {  	_ = 	snop  }
0x3c: {  	p2 =	seq.s32 s10, $0x1;
	s10 =	sld [smem:$0x3FB9]  }
0x3d: {  	_ =	shalt  }
0x3e: {  	_ =	shalt  }
0x3f: {  	_ =	shalt  }
0x40: {  	_ =	shalt  }
0x41: {  	_ =	shalt  }
0x42: {  	_ =	shalt  }
0x43: {  	_ =	shalt  }
0x44: {  	_ =	shalt  }
0x45: {  	_ =	shalt  }
0x46: {  	_ =	shalt  }
0x47: {  	_ =	shalt  }
0x48: {  	_ =	shalt  }
0x49: {  	_ =	shalt  }
0x4a: {  	_ =	shalt  }
0x4b: {  	_ =	shalt  }
0x4c: {  	_ =	shalt  }
0x4d: {  	_ =	shalt  }
0x4e: {  	_ =	shalt  }
0x4f: {  	_ =	shalt  }
0x50: {  	_ =	shalt  }
0x51: {  	_ =	shalt  }
0x52: {  	_ =	shalt  }
0x53: {  	_ =	shalt  }
0x54: {  	_ =	shalt  }
0x55: {  	_ =	shalt  }
0x56: {  	_ =	shalt  }
0x57: {  	_ =	shalt  }
0x58: {  	_ =	shalt  }
0x59: {  	_ =	shalt  }
0x5a: {  	_ =	shalt  }
0x5b: {  	_ =	shalt  }
0x5c: {  	_ =	shalt  }
0x5d: {  	_ =	shalt  }
0x5e: {  	_ =	shalt  }
0x5f: {  	_ =	shalt  }
0x60: {  	_ =	shalt  }
0x61: {  	_ =	shalt  }
0x62: {  	_ =	shalt  }
0x63: {  	_ =	shalt  }
0x64: {  	_ =	shalt  }
0x65: {  	_ =	shalt  }
0x66: {  	_ =	shalt  }
0x67: {  	_ =	shalt  }
0x68: {  	_ =	shalt  }
0x69: {  	_ =	shalt  }
0x6a: {  	_ =	shalt  }
0x6b: {  	_ =	shalt  }
0x6c: {  	_ =	shalt  }
0x6d: {  	_ =	shalt  }
0x6e: {  	_ =	shalt  }
0x6f: {  	_ =	shalt  }
0x70: {  	_ =	shalt  }
0x71: {  	_ =	shalt  }
0x72: {  	_ =	shalt  }
0x73: {  	_ =	shalt  }
0x74: {  	_ =	shalt  }
0x75: {  	_ =	shalt  }
0x76: {  	_ =	shalt  }
0x77: {  	_ =	shalt  }
0x78: {  	_ =	shalt  }
0x79: {  	_ =	shalt  }
0x7a: {  	_ =	shalt  }
0x7b: {  	_ =	shalt  }
0x7c: {  	_ =	shalt  }
0x7d: {  	_ =	shalt  }
0x7e: {  	_ =	shalt  }
0x7f: {  	_ =	shalt  }
0x80: {  	_ =	shalt  }
0x81: {  	_ =	shalt  }
0x82: {  	_ =	shalt  }
0x83: {  	_ =	shalt  }
0x84: {  	_ =	shalt  }
0x85: {  	_ =	shalt  }
0x86: {  	_ =	shalt  }
0x87: {  	_ =	shalt  }
.Lfunc_end0:
.L_simem_size_0:
called_computation.1_lowered:
.L_overlay_start_0:
0x88: {  	s2 =	sld [smem:$0x3FD9]  }
0x89: {  	s3 =	sld [smem:$0x3FFE];
	_ =	sdelay $0x1  }
0x8a: {  	s1 =	srdreg.scid  }
0x8b: {  	s0 =	sand.u32 $0x1, s1  }
0x8c: {  	s17 =	sshll.u32 s0, $0xA;
	s2 =	sadd.s32 s3, s2  }
0x8d: {  	s2 =	sadd.s32 s2, s17  }
0x8e: {  	[smem:$0x3FC5] =	sst s2  }
0x8f: {  	_ = 	snop  }
0x90: {  	(tm) =	ssettm $0x1  }
0x91: {  	s18 =	sld [smem:$0x3FFB];
	_ =	sdelay $0x3  }
0x92: {  	_ =	strace s18  }
0x93: {  	s2 =	sld [smem:$0x3FFC];
	_ =	sdelay $0x3  }
0x94: {  	_ =	strace s2  }
0x95: {  	s2 =	sld [smem:$0x3FFD];
	_ =	sdelay $0x3  }
0x96: {  	_ =	strace s2  }
0x97: {  	_ =	strace $0x8FFFFFFF  }
0x98: {  	s19 =	sld [smem:$0x3FDB];
	_ =	sdelay $0x1  }
0x99: {  	s20 =	simm.s32 $_scs_section_size  }
0x9a: {  	s4 =	simm.s32 $_size__tile_overlayer_lowered;
	s5 =	simm.s32 $_tile_overlayer_lowered  }
0x9b: {  	s6 =	simm.s32 $0x1BFF;
	s21 =	sshll.u32 s5, $0x1;
	s3 =	sadd.s32 s20, s19  }
0x9c: {  	s22 =	simm.s32 $0x0;
	s4 =	sshll.u32 s4, $0x1;
	s5 =	sadd.s32 s21, s3  }
0x9d: {  	[timem:s22], [sflag:s6] =	dma.local [hbm:s5], s4  }
0x9e: {  	_ =	swait.ge [sflag:s6], s4  }
0x9f: {  	s4 =	ssub.s32 $0x0, s4;
	[sflag:s6] =	ssyncset.done $0x0  }
0xa0: {  	[sflag:s6] =	ssyncadd.s32 s4;
	_ =	sdelay $0x1  }
0xa1: {  	s23 =	simm.s32 $0x1B8B  }
0xa2: {  	_ =	swait.ge [sflag:s23], $0x1  }
0xa3: {  	[sflag:s23] =	ssyncset.done $0x0  }
0xa4: {  	[sflag:s23] =	ssyncadd.s32 $0xFFFFFFFF  }
0xa5: {  	s4 =	sld [smem:$0x0]  }
0xa6: {  	s5 =	sand.u32 $0xFFFFFFFE, s1  }
0xa7: {  	p0 =	sne.s32 s1, s5  }
0xa8: {  	s5 =	sshll.u32 @p0 s5, $0xE  }
0xa9: {  	s5 =	sadd.s32 @p0 $0x11B8D, s5;
	s6 =	sshll.u32 @p0 s4, $0x11  }
0xaa: {  	s5 =	sor.u32 @p0 s6, s5  }
0xab: {  	[sflag:s5] =	ssyncadd.remote.s32 @p0 $0x1;
	_ =	sdelay $0x1  }
0xac: {  	s5 =	simm.s32 @p0 $0x1B8D  }
0xad: {  	_ =	swait.eq @p0 [sflag:s5], $0x1  }
0xae: {  	[sflag:s5] =	ssyncadd.s32 @p0 $0xFFFFFFFF  }
0xaf: {  	s6 =	sshll.u32 @!p0 s1, $0xE  }
0xb0: {  	s6 =	sor.u32 @!p0 $0x4000, s6;
	s5 =	simm.s32 @!p0 $0x1B8D  }
0xb1: {  	s4 =	sshll.u32 @!p0 s4, $0x11;
	s6 =	sadd.s32 @!p0 $0x11B8D, s6;
	_ =	swait.eq @!p0 [sflag:s5], $0x1  }
0xb2: {  	s4 =	sor.u32 @!p0 s4, s6;
	[sflag:s5] =	ssyncadd.s32 @!p0 $0xFFFFFFFF  }
0xb3: {  	s25 =	simm.s32 $0x1B8E;
	s24 =	sld [smem:$0x3FFE];
	[sflag:s4] =	ssyncadd.remote.s32 @!p0 $0x1  }
0xb4: {  	s26 =	simm.s32 $execute0_lowered;
	[smem:$0x3FD2] =	sst s25  }
0xb5: {  	s5 =	sshll.u32 s26, $0x1;
	_ =	strace $0x80000049;
	[dreg:$0x1] =	wrdreg $0xFFFFFFFF  }
0xb6: {  	s28 =	simm.s32 $_size_execute0_lowered;
	s3 =	sadd.s32 s3, s5;
	[dreg:$0x0] =	wrdreg $0x0  }
0xb7: {  	s5 =	sshll.u32 s28, $0x1;
	[dreg:$0x2] =	wrdreg s3  }
0xb8: {  	[dreg:$0x3] =	wrdreg s5  }
0xb9: {  	[dreg:$0x4] =	wrdreg $0xC0  }
0xba: {  	_ =	task [dreg:s22], $0x5FFFF  }
0xbb: {  	[dreg:$0x1] =	wrdreg $0xFFFFFFFF  }
0xbc: {  	[dreg:$0x0] =	wrdreg $0x60  }
0xbd: {  	[dreg:$0x2] =	wrdreg s24  }
0xbe: {  	[dreg:$0x3] =	wrdreg $0xA  }
0xbf: {  	_ =	task.clear_ibuf [dreg:s22], $0x4FFFF;
	_ =	strace $0x90000049  }
0xc0: {  	s29 =	simm.s32 $0xA;
	_ =	strace $0x8000004B  }
0xc1: {  	_ =	swait.ge [sflag:s29], $0x1  }
0xc2: {  	[sflag:s29] =	ssyncadd.s32 $0xFFFFFFFF  }
0xc3: {  	_ =	strace $0x9000004B  }
0xc4: {  	_ =	sfence  }
0xc5: {  	s30 =	sld [smem:$0x0];
	_ =	sdelay $0x2  }
0xc6: {  	s31 =	sshll.u32 s1, $0xD;
	s1 =	sshrl.u32 s1, $0x2  }
0xc7: {  	s4 =	sand.u32 $0x4000, s31;
	s1 =	sadd.s32 s1, s30  }
0xc8: {  	s0 =	sor.u32 s4, s0;
	s1 =	sshll.u32 s1, $0x11  }
0xc9: {  	s0 =	sor.u32 s1, s0  }
0xca: {  	s0 =	sadd.s32 $0x8F2B, s0  }
0xcb: {  	[sflag:s0] =	ssyncadd.remote.s32 $0x1  }
0xcc: {  	_ =	sfence.sel $0xFFFF  }
0xcd: {  	[dreg:$0x0] =	wrdreg $0xFFFFFFFF;
	(pc) =	sbr.abs _section_cstart, $3  }
0xce: {  	[dreg:$0x1] =	wrdreg $0xFFFFFFFF  }
0xcf: {  	_ =	task.clear_ibuf [dreg:s22], $0x2FFFF;
	_ =	strace $0x9FFFFFFF  }
0xd0: {  	(tm) =	ssettm $0x7FFFFFFF  }
0xd1: {  	_ =	shalt  }
tec
execute0_lowered:
.L_overlay_start_1:
0x0: {  	(tag) =	ssettag $0x1  }
0x1: {  	s1 =	srdreg.scid  }
0x2: {  	s0 =	stileid.u32;
	s22 =	sand.u32 $0x1, s1  }
0x3: {  	s31 =	sshll.u32 s0, $0xA;
	s2 =	sshll.u32 s22, $0x9  }
0x4: {  	s18 =	sor.u32 s2, s31  }
0x5: {  	s17 =	rddreg [dreg:$0x0];
	s2 =	simm.s32 $0x0;
	s3 =	sshrl.u32 s18, $0x3  }
0x6: {  	s4 =	simm.s32 $0x3;
	[smem:$0x7FF] =	sst s2;
	s9 =	sadd.s32 s3, s17  }
0x7: {  	s1 =	rddreg [dreg:$0x1];
	_ =	strace $0x8000004A;
	s3 =	sadd.s32 $0x2E00, s9  }
0x8: {  	[tilespmem:s2], [sflag:$0x3] =	stream.linear.gather [hbm4b:s3+s2], $0x80, $0x38;
	[tilespmem:$0x10200] =	vst v63  }
0x9: {  	_ =	swait.ge [sflag:s4], $0x80  }
0xa: {  	[sflag:s4] =	ssyncset.done $0x0  }
0xb: {  	s6 =	simm.s32 $0x80;
	s5 =	sadd.s32 $0x2E10, s9;
	[sflag:s4] =	ssyncadd.s32 $0xFFFFFF80  }
0xc: {  	[tilespmem:s6], [sflag:$0x3] =	stream.linear.gather [hbm4b:s5+s2], $0x80, $0x38;
	[tilespmem:$0x10200] =	vst v63  }
0xd: {  	_ =	swait.ge [sflag:s4], $0x80  }
0xe: {  	[sflag:s4] =	ssyncset.done $0x0  }
0xf: {  	s8 =	simm.s32 $0x100;
	s7 =	sadd.s32 $0x2E20, s9;
	[sflag:s4] =	ssyncadd.s32 $0xFFFFFF80  }
0x10: {  	[tilespmem:s8], [sflag:$0x3] =	stream.linear.gather [hbm4b:s7+s2], $0x80, $0x38;
	[tilespmem:$0x10200] =	vst v63  }
0x11: {  	_ =	swait.ge [sflag:s4], $0x80  }
0x12: {  	[sflag:s4] =	ssyncset.done $0x0  }
0x13: {  	s10 =	simm.s32 $0x180;
	s9 =	sadd.s32 $0x2E30, s9;
	[sflag:s4] =	ssyncadd.s32 $0xFFFFFF80  }
0x14: {  	[tilespmem:s10], [sflag:$0x3] =	stream.linear.gather [hbm4b:s9+s2], $0x80, $0x38;
	[tilespmem:$0x10200] =	vst v63  }
0x15: {  	_ =	swait.ge [sflag:s4], $0x80  }
0x16: {  	[sflag:s4] =	ssyncset.done $0x0  }
0x17: {  	s12 =	simm.s32 $0x200;
	s11 =	sadd.s32 $0x20A000, s17;
	[sflag:s4] =	ssyncadd.s32 $0xFFFFFF80  }
0x18: {  	[tilespmem:s12], [sflag:$0x1] =	stream.indirect.gather [hbm4b:s11+s6], $0x80, s2, s6, $0xb8;
	[tilespmem:$0x10200] =	vst v63  }
0x19: {  	s13 =	simm.s32 $0x4200  }
0x1a: {  	[tilespmem:s13], [sflag:$0x1] =	stream.indirect.gather [hbm4b:s11+s6], $0x80, s6, s6, $0xb8;
	[tilespmem:$0x10200] =	vst v63  }
0x1b: {  	s14 =	simm.s32 $0x8200  }
0x1c: {  	[tilespmem:s14], [sflag:$0x1] =	stream.indirect.gather [hbm4b:s11+s6], $0x80, s8, s6, $0xb8;
	[tilespmem:$0x10200] =	vst v63  }
0x1d: {  	s15 =	simm.s32 $0xC200;
	s16 =	simm.s32 $0x1  }
0x1e: {  	[tilespmem:s15], [sflag:$0x1] =	stream.indirect.gather [hbm4b:s11+s6], $0x80, s10, s6, $0xb8;
	[tilespmem:$0x10200] =	vst v63  }
0x1f: {  	s18 =	sshll.u32 s18, $0x4;
	_ =	swait.ge [sflag:s16], $0x4000  }
0x20: {  	s20 =	sadd.s32 s18, s17;
	[sflag:s16] =	ssyncset.done $0x0  }
0x21: {  	s17 =	sadd.s32 $0x83600, s20;
	[sflag:s16] =	ssyncadd.s32 $0xFFFFC000  }
0x22: {  	[hbm4b:s17+s2] =	stream.linear.scatter [tilespmem:s12], [sflag:$0x2], $0x4000, $0x38;
	[tilespmem:$0x10200] =	vst v63  }
0x23: {  	_ =	swait.ge [sflag:s16], $0x4000  }
0x24: {  	[sflag:s16] =	ssyncset.done $0x0  }
0x25: {  	s18 =	sadd.s32 $0x83E00, s20;
	[sflag:s16] =	ssyncadd.s32 $0xFFFFC000  }
0x26: {  	[hbm4b:s18+s2] =	stream.linear.scatter [tilespmem:s13], [sflag:$0x2], $0x4000, $0x38;
	[tilespmem:$0x10200] =	vst v63  }
0x27: {  	_ =	swait.ge [sflag:s16], $0x4000  }
0x28: {  	[sflag:s16] =	ssyncset.done $0x0  }
0x29: {  	s19 =	sadd.s32 $0x84600, s20;
	[sflag:s16] =	ssyncadd.s32 $0xFFFFC000  }
0x2a: {  	[hbm4b:s19+s2] =	stream.linear.scatter [tilespmem:s14], [sflag:$0x2], $0x4000, $0x38;
	[tilespmem:$0x10200] =	vst v63  }
0x2b: {  	_ =	swait.ge [sflag:s16], $0x4000  }
0x2c: {  	[sflag:s16] =	ssyncset.done $0x0  }
0x2d: {  	s21 =	sadd.s32 $0x84E00, s20;
	s20 =	simm.s32 $0x2;
	[sflag:s16] =	ssyncadd.s32 $0xFFFFC000  }
0x2e: {  	[hbm4b:s21+s2] =	stream.linear.scatter [tilespmem:s15], [sflag:$0x2], $0x4000, $0x38;
	[tilespmem:$0x10200] =	vst v63  }
0x2f: {  	_ =	swait.ge [sflag:s20], $0x4000  }
0x30: {  	s22 =	ssub.s32 $0x2, s22;
	[sflag:s20] =	ssyncset.done $0x0  }
0x31: {  	s23 =	sshrl.u32 s22, $0x1;
	[sflag:s20] =	ssyncadd.s32 $0xFFFFC000  }
0x32: {  	s22 =	ssub.s32 s22, s23;
	_ =	swait.ge [sflag:s20], $0x4000  }
0x33: {  	s22 =	smax.u32 s22, $0x1;
	[sflag:s20] =	ssyncset.done $0x0  }
0x34: {  	p0 =	sne.s32 s22, $0x1;
	[sflag:s20] =	ssyncadd.s32 $0xFFFFC000  }
.Ltmp0:
0x35: {  	_ =	swait.ge [sflag:s20], $0x4000;
	(pc) =	sbr.rel @!p0 .LBB2_2-.Ltmp0, $4  }
0x36: {  	[sflag:s20] =	ssyncset.done $0x0  }
0x37: {  	[sflag:s20] =	ssyncadd.s32 $0xFFFFC000  }
0x38: {  	_ =	swait.ge [sflag:s20], $0x4000  }
0x39: {  	s22 =	sadd.s32 $0xFFFFFFFF, s22;
	[sflag:s20] =	ssyncset.done $0x0  }
.LBB2_1:
0x3a: {  	p0 =	sne.s32 s22, $0x1;
	s22 =	sadd.s32 $0xFFFFFFFF, s22;
	[sflag:s20] =	ssyncadd.s32 $0xFFFFC000  }
0x3b: {  	[tilespmem:s2], [sflag:$0x3] =	stream.linear.gather [hbm4b:s3+s2], $0x80, $0x38;
	[tilespmem:$0x10200] =	vst v63  }
0x3c: {  	_ =	swait.ge [sflag:s4], $0x80  }
0x3d: {  	[sflag:s4] =	ssyncset.done $0x0  }
0x3e: {  	[sflag:s4] =	ssyncadd.s32 $0xFFFFFF80  }
0x3f: {  	[tilespmem:s6], [sflag:$0x3] =	stream.linear.gather [hbm4b:s5+s2], $0x80, $0x38;
	[tilespmem:$0x10200] =	vst v63  }
0x40: {  	_ =	swait.ge [sflag:s4], $0x80  }
0x41: {  	[sflag:s4] =	ssyncset.done $0x0  }
0x42: {  	[sflag:s4] =	ssyncadd.s32 $0xFFFFFF80  }
0x43: {  	[tilespmem:s8], [sflag:$0x3] =	stream.linear.gather [hbm4b:s7+s2], $0x80, $0x38;
	[tilespmem:$0x10200] =	vst v63  }
0x44: {  	_ =	swait.ge [sflag:s4], $0x80  }
0x45: {  	[sflag:s4] =	ssyncset.done $0x0  }
0x46: {  	[sflag:s4] =	ssyncadd.s32 $0xFFFFFF80  }
0x47: {  	[tilespmem:s10], [sflag:$0x3] =	stream.linear.gather [hbm4b:s9+s2], $0x80, $0x38;
	[tilespmem:$0x10200] =	vst v63  }
0x48: {  	_ =	swait.ge [sflag:s4], $0x80  }
0x49: {  	[sflag:s4] =	ssyncset.done $0x0  }
0x4a: {  	[sflag:s4] =	ssyncadd.s32 $0xFFFFFF80  }
0x4b: {  	[tilespmem:s12], [sflag:$0x1] =	stream.indirect.gather [hbm4b:s11+s6], $0x80, s2, s6, $0xb8;
	[tilespmem:$0x10200] =	vst v63  }
0x4c: {  	_ = 	snop  }
0x4d: {  	[tilespmem:s13], [sflag:$0x1] =	stream.indirect.gather [hbm4b:s11+s6], $0x80, s6, s6, $0xb8;
	[tilespmem:$0x10200] =	vst v63  }
0x4e: {  	_ = 	snop  }
0x4f: {  	[tilespmem:s14], [sflag:$0x1] =	stream.indirect.gather [hbm4b:s11+s6], $0x80, s8, s6, $0xb8;
	[tilespmem:$0x10200] =	vst v63  }
0x50: {  	_ = 	snop  }
0x51: {  	[tilespmem:s15], [sflag:$0x1] =	stream.indirect.gather [hbm4b:s11+s6], $0x80, s10, s6, $0xb8;
	[tilespmem:$0x10200] =	vst v63  }
0x52: {  	_ =	swait.ge [sflag:s16], $0x4000  }
0x53: {  	[sflag:s16] =	ssyncset.done $0x0  }
0x54: {  	[sflag:s16] =	ssyncadd.s32 $0xFFFFC000  }
0x55: {  	[hbm4b:s17+s2] =	stream.linear.scatter [tilespmem:s12], [sflag:$0x2], $0x4000, $0x38;
	[tilespmem:$0x10200] =	vst v63  }
0x56: {  	_ =	swait.ge [sflag:s16], $0x4000  }
0x57: {  	[sflag:s16] =	ssyncset.done $0x0  }
0x58: {  	[sflag:s16] =	ssyncadd.s32 $0xFFFFC000  }
0x59: {  	[hbm4b:s18+s2] =	stream.linear.scatter [tilespmem:s13], [sflag:$0x2], $0x4000, $0x38;
	[tilespmem:$0x10200] =	vst v63  }
0x5a: {  	_ =	swait.ge [sflag:s16], $0x4000  }
0x5b: {  	[sflag:s16] =	ssyncset.done $0x0  }
0x5c: {  	[sflag:s16] =	ssyncadd.s32 $0xFFFFC000  }
0x5d: {  	[hbm4b:s19+s2] =	stream.linear.scatter [tilespmem:s14], [sflag:$0x2], $0x4000, $0x38;
	[tilespmem:$0x10200] =	vst v63  }
0x5e: {  	_ =	swait.ge [sflag:s16], $0x4000  }
0x5f: {  	[sflag:s16] =	ssyncset.done $0x0  }
0x60: {  	[sflag:s16] =	ssyncadd.s32 $0xFFFFC000  }
0x61: {  	[hbm4b:s21+s2] =	stream.linear.scatter [tilespmem:s15], [sflag:$0x2], $0x4000, $0x38;
	[tilespmem:$0x10200] =	vst v63  }
0x62: {  	_ =	swait.ge [sflag:s20], $0x4000  }
0x63: {  	[sflag:s20] =	ssyncset.done $0x0  }
0x64: {  	[sflag:s20] =	ssyncadd.s32 $0xFFFFC000  }
0x65: {  	_ =	swait.ge [sflag:s20], $0x4000  }
0x66: {  	[sflag:s20] =	ssyncset.done $0x0  }
0x67: {  	[sflag:s20] =	ssyncadd.s32 $0xFFFFC000  }
.Ltmp1:
0x68: {  	_ =	swait.ge [sflag:s20], $0x4000;
	(pc) =	sbr.rel @p0 .LBB2_1-.Ltmp1, $4  }
0x69: {  	[sflag:s20] =	ssyncset.done $0x0  }
0x6a: {  	[sflag:s20] =	ssyncadd.s32 $0xFFFFC000  }
0x6b: {  	_ =	swait.ge [sflag:s20], $0x4000  }
0x6c: {  	[sflag:s20] =	ssyncset.done $0x0  }
.LBB2_2:
0x6d: {  	[sflag:s20] =	ssyncadd.s32 $0xFFFFC000  }
0x6e: {  	_ =	sfence.sel $0x180000  }
0x6f: {  	[bflag:$0x0] =	sbarrier.arrive $0xFFFF  }
0x70: {  	p0 =	sne.s32 s0, $0x0;
	_ =	strace $0x9000004A  }
0x71: {  	s0 =	sadd.s32 @!p0 $0x100000, s1;
	[bflag:$0x2] =	sbarrier.arrive $0xFFFF  }
0x72: {  	[sflag:s0] =	ssyncadd.tile.s32 @!p0 $0x1;
	_ =	shalt  }
.Lfunc_end2:
_tile_overlayer_lowered:
.L_overlay_start_2:
0x73: {  	(tag) =	ssettag $0x2  }
0x74: {  	s0 =	rddreg [dreg:$0x0];
	s2 =	stileid.u32  }
0x75: {  	s1 =	rddreg [dreg:$0x1];
	p0 =	sne.s32 s2, $0x0  }
0x76: {  	s3 =	rddreg [dreg:$0x2];
	[bflag:$0x3] =	sbarrier.arrive $0xFFFF;
	s2 =	simm.s32 @!p0 $0x1C03  }
0x77: {  	[timem:s3], [sflag:s2] =	dma.local @!p0 [hbm:s0], s1  }
0x78: {  	s0 =	simm.s32 @!p0 $0x3  }
0x79: {  	_ =	swait.ge @!p0 [sflag:s0], s1  }
0x7a: {  	s1 =	ssub.s32 @!p0 $0x0, s1;
	[sflag:s0] =	ssyncset.done @!p0 $0x0  }
0x7b: {  	[sflag:s0] =	ssyncadd.s32 @!p0 s1  }
0x7c: {  	[bflag:$0x3] =	sbarrier.arrive $0xFFFF  }
0x7d: {  	_ =	shalt  }

</sc_bundles>
